<compile_context>
chip_gen: v7x
topology: tpu7x:2x2x1
jax: 0.10.2.dev20260603
libtpu: 0.0.44.dev20260713+nightly
codegen_flags: <defaults>
</compile_context>

<pallas_src>
import functools

import jax
import jax.numpy as jnp
from jax import lax
from jax.experimental import pallas as pl
from jax.experimental.pallas import tpu as pltpu
from jax.experimental.pallas import tpu_sc as plsc

_VOCAB = 1000000
_DIM = 64
_BATCH = 16384
_NEG = 5

_NSETS = 3 + _NEG
_TOTAL = _NSETS * _BATCH
_NC, _NS = 2, 16
_NW = _NC * _NS
_GCH = 128
_EPC = _GCH // _NSETS
_NCH = _TOTAL // _NW // _GCH
_EPW = _NCH * _EPC

_PREP_CH = 32768


def _prep_body(xt_ref, ew_ref, out_ref):
    x = xt_ref[...].astype(jnp.bfloat16)
    y = lax.dot_general(x, ew_ref[...].astype(jnp.bfloat16),
                        (((0,), (0,)), ((), ())),
                        preferred_element_type=jnp.float32)
    out_ref[...] = pltpu.bitcast(y.astype(jnp.bfloat16), jnp.int32)


def _prep(table_t, ew):
    nblk = (_VOCAB + _PREP_CH - 1) // _PREP_CH
    return pl.pallas_call(
        _prep_body,
        grid=(nblk,),
        in_specs=[
            pl.BlockSpec((_DIM, _PREP_CH), lambda i: (0, i)),
            pl.BlockSpec((_DIM, 2 * _DIM), lambda i: (0, 0)),
        ],
        out_specs=pl.BlockSpec((_PREP_CH // 2, 2 * _DIM), lambda i: (i, 0)),
        out_shape=jax.ShapeDtypeStruct((_VOCAB // 2, 2 * _DIM), jnp.int32),
    )(table_t, ew)


def _sc_body(table3, idxf_hbm, par_hbm, b_hbm, out_hbm,
             idxf_v, par_w, buf_a, buf_b, bvec, obuf, sem_a, sem_b):
    wid = lax.axis_index("s") * _NC + lax.axis_index("c")
    pltpu.sync_copy(idxf_hbm.at[pl.ds(wid * _NCH, _NCH)], idxf_v)
    pltpu.sync_copy(par_hbm.at[pl.ds(wid * _EPW, _EPW)], par_w)
    pltpu.sync_copy(b_hbm, bvec)

    def fire(j, buf, sem):
        pltpu.async_copy(table3.at[idxf_v.at[j]], buf, sem)

    def drain(buf, sem):
        pltpu.make_async_copy(table3.at[pl.ds(0, _GCH)], buf, sem).wait()

    def compute_chunk(j, buf):
        def elem(e, carry):
            r0 = e * _NSETS

            def pvec(k):
                return par_w[j * _EPC + e, pl.ds(16 * k, 16)] != 0

            def half(k, off, odd):
                w = buf[r0 + k, pl.ds(off, 16)]
                hi = lax.bitcast_convert_type(
                    jnp.bitwise_and(w, jnp.int32(-65536)), jnp.float32)
                lo = lax.bitcast_convert_type(
                    lax.shift_left(w, jnp.int32(16)), jnp.float32)
                return jnp.where(odd, hi, lo)

            p0 = pvec(0)
            p1 = pvec(1)
            preds = []
            for c in range(4):
                p = (half(0, _DIM + 16 * c, p0)
                     + half(1, _DIM + 16 * c, p1)
                     + bvec[pl.ds(16 * c, 16)])
                preds.append(p)
            for d in range(6):
                k = 2 + d
                pk = pvec(k)
                acc = preds[0] * half(k, 0, pk)
                for c in range(1, 4):
                    acc = acc + preds[c] * half(k, 16 * c, pk)
                obuf[e, pl.ds(16 * d, 16)] = acc
            zero = jnp.zeros((16,), jnp.float32)
            obuf[e, pl.ds(96, 16)] = zero
            obuf[e, pl.ds(112, 16)] = zero
            return carry

        lax.fori_loop(0, _EPC, elem, 0)

    fire(0, buf_a, sem_a)
    fire(1, buf_b, sem_b)

    def body(j, carry):
        ja = 2 * j
        drain(buf_a, sem_a)
        compute_chunk(ja, buf_a)
        pltpu.sync_copy(obuf, out_hbm.at[pl.ds(wid * _EPW + ja * _EPC, _EPC)])

        @pl.when(ja + 2 < _NCH)
        def _():
            fire(ja + 2, buf_a, sem_a)

        drain(buf_b, sem_b)
        compute_chunk(ja + 1, buf_b)
        pltpu.sync_copy(obuf, out_hbm.at[pl.ds(wid * _EPW + (ja + 1) * _EPC, _EPC)])

        @pl.when(ja + 3 < _NCH)
        def _():
            fire(ja + 3, buf_b, sem_b)

        return carry

    lax.fori_loop(0, _NCH // 2, body, 0)


@functools.cache
def _sc_gather_score():
    return pl.kernel(
        _sc_body,
        out_type=jax.ShapeDtypeStruct((_BATCH, 2 * _DIM), jnp.float32),
        mesh=plsc.VectorSubcoreMesh(core_axis_name="c", subcore_axis_name="s"),
        scratch_types=[
            pltpu.VMEM((_NCH, _GCH), jnp.int32),
            pltpu.VMEM((_EPW, 2 * _DIM), jnp.int32),
            pltpu.VMEM((_GCH, 2 * _DIM), jnp.int32),
            pltpu.VMEM((_GCH, 2 * _DIM), jnp.int32),
            pltpu.VMEM((_DIM,), jnp.float32),
            pltpu.VMEM((_EPC, 2 * _DIM), jnp.float32),
            pltpu.SemaphoreType.DMA,
            pltpu.SemaphoreType.DMA,
        ],
    )


def _log_sigmoid(x):
    return jnp.minimum(x, 0.0) - jnp.log(1.0 + jnp.exp(-jnp.abs(x)))


_BS = 2048


def _finish_body(x_ref, out_ref):
    i = pl.program_id(0)

    @pl.when(i == 0)
    def _():
        out_ref[0, 0] = 0.0

    x = x_ref[...]
    group = lax.broadcasted_iota(jnp.int32, (_BS, 2 * _DIM), 1) // 16
    s = jnp.sum(jnp.where(group == 0, x, 0.0), axis=1)
    total = jnp.sum(_log_sigmoid(s))
    for d in range(1, 6):
        nd = jnp.sum(jnp.where(group == d, x, 0.0), axis=1)
        total = total + jnp.sum(_log_sigmoid(-nd))
    out_ref[0, 0] += total


def _finish(dots):
    return pl.pallas_call(
        _finish_body,
        grid=(_BATCH // _BS,),
        in_specs=[pl.BlockSpec((_BS, 2 * _DIM), lambda i: (i, 0))],
        out_specs=pl.BlockSpec((1, 1), lambda i: (0, 0), memory_space=pltpu.SMEM),
        out_shape=jax.ShapeDtypeStruct((1, 1), jnp.float32),
    )(dots)


def kernel(pos_u1, pos_u2, pos_v, neg_v, W_emb, W_map, b_map):
    idx_em = jnp.concatenate(
        [pos_u1[:, None], pos_u2[:, None], pos_v[:, None], neg_v],
        axis=1).astype(jnp.int32).reshape(-1)
    idx_f = (idx_em >> 1).reshape(_TOTAL // _GCH, _GCH)
    par = jnp.repeat((idx_em & 1).reshape(_BATCH, _NSETS), 16, axis=1)
    table_t = W_emb.T
    ew = jnp.concatenate([jnp.eye(_DIM, dtype=jnp.float32), W_map.T], axis=1)
    table3 = _prep(table_t, ew)
    dots = _sc_gather_score()(table3, idx_f, par, b_map)
    out = _finish(dots)
    return -out[0, 0]

# --- scband reference (transcript-rebuilt; emitter-appended) ---
"""Pipeline reference for scband-skip-gram-model-34205119545442 (READ-ONLY COPY).

The authoritative reference and input builder live on the scoring server;
editing this copy changes nothing except your own understanding.
"""

import jax, jax.numpy as jnp
import numpy as np

VOCAB = 1000000
DIM = 64
BATCH = 16384
NEG = 5

def setup_inputs(seed: int = 0) -> dict:
    key = jax.random.key(seed)
    ks = jax.random.split(key, 7)
    pos_u1 = jax.random.randint(ks[0], (BATCH,), 0, VOCAB)
    pos_u2 = jax.random.randint(ks[1], (BATCH,), 0, VOCAB)
    pos_v = jax.random.randint(ks[2], (BATCH,), 0, VOCAB)
    neg_v = jax.random.randint(ks[3], (BATCH, NEG), 0, VOCAB)
    initrange = 0.5 / DIM
    W_emb = jax.random.uniform(ks[4], (VOCAB, DIM), minval=-initrange, maxval=initrange, dtype=jnp.float32)
    W_map = jax.random.normal(ks[5], (DIM, DIM), dtype=jnp.float32) * 0.05
    b_map = jax.random.normal(ks[6], (DIM,), dtype=jnp.float32) * 0.05
    return {"pos_u1": pos_u1, "pos_u2": pos_u2, "pos_v": pos_v, "neg_v": neg_v,
            "W_emb": W_emb, "W_map": W_map, "b_map": b_map}

def reference(pos_u1, pos_u2, pos_v, neg_v, W_emb, W_map, b_map):
    # embedding lookups (gathers)
    word_1 = jnp.take(W_emb, pos_u1, axis=0)        # [B, D]
    word_2 = jnp.take(W_emb, pos_u2, axis=0)        # [B, D]
    word_context = jnp.take(W_emb, pos_v, axis=0)   # [B, D]
    neg_context = jnp.take(W_emb, neg_v, axis=0)    # [B, NEG, D]
    relation_vector = word_1 + word_2
    # nn.Linear: y = x @ W.T + b
    pred_relation = relation_vector @ W_map.T + b_map
    score = jnp.sum(pred_relation * word_context, axis=1)
    score = jax.nn.log_sigmoid(score)
    # bmm(neg_context [B,NEG,D], pred_relation [B,D,1]).squeeze() -> [B,NEG]
    neg_score = jnp.einsum('bnd,bd->bn', neg_context, pred_relation)
    neg_score = jax.nn.log_sigmoid(-1.0 * neg_score)
    return -1.0 * (jnp.sum(score) + jnp.sum(neg_score))

if __name__ == "__main__":
    import jax
    _d = setup_inputs()
    print(jax.jit(kernel)(*tuple(_d.values())))

</pallas_src>

<mosaic_0001>
#map = affine_map<(d0, d1) -> (0, 0)>
#map1 = affine_map<(d0, d1) -> (0)>
module attributes {stable_mosaic.version = 14 : i64} {
  func.func @_sc_body(%arg0: i32, %arg1: i32, %arg2: memref<500000x128xi32, #tpu.memory_space<hbm>>, %arg3: memref<1024x128xi32, #tpu.memory_space<hbm>>, %arg4: memref<16384x128xi32, #tpu.memory_space<hbm>>, %arg5: memref<64xf32, #tpu.memory_space<hbm>>, %arg6: memref<16384x128xf32, #tpu.memory_space<hbm>>, %arg7: memref<32x128xi32, #tpu.memory_space<vmem>>, %arg8: memref<512x128xi32, #tpu.memory_space<vmem>>, %arg9: memref<128x128xi32, #tpu.memory_space<vmem>>, %arg10: memref<128x128xi32, #tpu.memory_space<vmem>>, %arg11: memref<64xf32, #tpu.memory_space<vmem>>, %arg12: memref<16x128xf32, #tpu.memory_space<vmem>>, %arg13: memref<!tpu.dma_semaphore, #tpu.memory_space<semaphore_mem>>, %arg14: memref<!tpu.dma_semaphore, #tpu.memory_space<semaphore_mem>>) attributes {dimension_semantics = [#tpu.dimension_semantics<core_parallel>, #tpu.dimension_semantics<subcore_parallel>], iteration_bounds = array<i64: 2, 16>, scalar_prefetch = 0 : i64, scratch_operands = 8 : i64, tpu.core_type = #tpu.core_type<sc_vector_subcore>, window_params = [{transform_indices = #map}, {transform_indices = #map}, {transform_indices = #map}, {transform_indices = #map1}, {transform_indices = #map}]} {
    %mul3A = arith.constant 2 : i32
    %mul3A_0 = arith.muli %arg1, %mul3A : i32
    %add3A = arith.addi %mul3A_0, %arg0 : i32
    %mul3A_1 = arith.constant 32 : i32
    %mul3A_2 = arith.muli %add3A, %mul3A_1 : i32
    "tpu.region"() ({
      %run_scoped3A = tpu.sem_alloc : memref<!tpu.dma_semaphore, #tpu.memory_space<semaphore_mem>>
      %dma_start3A_23 = arith.constant 0 : i32
      %dma_start3A_24 = tpu.memref_slice %arg3[%mul3A_2, %dma_start3A_23] : memref<1024x128xi32, #tpu.memory_space<hbm>> -> memref<32x128xi32, #tpu.memory_space<hbm>>
      %dma_start3A_25 = arith.constant 0 : i32
      %dma_start3A_26 = tpu.memref_slice %arg3[%mul3A_2, %dma_start3A_25] : memref<1024x128xi32, #tpu.memory_space<hbm>> -> memref<32x128xi32, #tpu.memory_space<hbm>>
      tpu.enqueue_dma source(%dma_start3A_26 : memref<32x128xi32, #tpu.memory_space<hbm>>) target(%arg7 : memref<32x128xi32, #tpu.memory_space<vmem>>) target_semaphore(%run_scoped3A : memref<!tpu.dma_semaphore, #tpu.memory_space<semaphore_mem>>)
      %dma_wait3A = arith.constant 0 : i32
      %dma_wait3A_27 = tpu.memref_slice %arg3[%mul3A_2, %dma_wait3A] : memref<1024x128xi32, #tpu.memory_space<hbm>> -> memref<32x128xi32, #tpu.memory_space<hbm>>
      %dma_wait3A_28 = arith.constant 0 : i32
      %dma_wait3A_29 = tpu.memref_slice %arg3[%mul3A_2, %dma_wait3A_28] : memref<1024x128xi32, #tpu.memory_space<hbm>> -> memref<32x128xi32, #tpu.memory_space<hbm>>
      tpu.wait_dma2 semaphore(%run_scoped3A : memref<!tpu.dma_semaphore, #tpu.memory_space<semaphore_mem>>) src(%dma_wait3A_29 : memref<32x128xi32, #tpu.memory_space<hbm>>) dst(%arg7 : memref<32x128xi32, #tpu.memory_space<vmem>>)
      tpu.yield
    }) : () -> ()
    %mul3A_3 = arith.constant 512 : i32
    %mul3A_4 = arith.muli %add3A, %mul3A_3 : i32
    "tpu.region"() ({
      %run_scoped3A = tpu.sem_alloc : memref<!tpu.dma_semaphore, #tpu.memory_space<semaphore_mem>>
      %dma_start3A_23 = arith.constant 0 : i32
      %dma_start3A_24 = tpu.memref_slice %arg4[%mul3A_4, %dma_start3A_23] : memref<16384x128xi32, #tpu.memory_space<hbm>> -> memref<512x128xi32, #tpu.memory_space<hbm>>
      %dma_start3A_25 = arith.constant 0 : i32
      %dma_start3A_26 = tpu.memref_slice %arg4[%mul3A_4, %dma_start3A_25] : memref<16384x128xi32, #tpu.memory_space<hbm>> -> memref<512x128xi32, #tpu.memory_space<hbm>>
      tpu.enqueue_dma source(%dma_start3A_26 : memref<512x128xi32, #tpu.memory_space<hbm>>) target(%arg8 : memref<512x128xi32, #tpu.memory_space<vmem>>) target_semaphore(%run_scoped3A : memref<!tpu.dma_semaphore, #tpu.memory_space<semaphore_mem>>)
      %dma_wait3A = arith.constant 0 : i32
      %dma_wait3A_27 = tpu.memref_slice %arg4[%mul3A_4, %dma_wait3A] : memref<16384x128xi32, #tpu.memory_space<hbm>> -> memref<512x128xi32, #tpu.memory_space<hbm>>
      %dma_wait3A_28 = arith.constant 0 : i32
      %dma_wait3A_29 = tpu.memref_slice %arg4[%mul3A_4, %dma_wait3A_28] : memref<16384x128xi32, #tpu.memory_space<hbm>> -> memref<512x128xi32, #tpu.memory_space<hbm>>
      tpu.wait_dma2 semaphore(%run_scoped3A : memref<!tpu.dma_semaphore, #tpu.memory_space<semaphore_mem>>) src(%dma_wait3A_29 : memref<512x128xi32, #tpu.memory_space<hbm>>) dst(%arg8 : memref<512x128xi32, #tpu.memory_space<vmem>>)
      tpu.yield
    }) : () -> ()
    "tpu.region"() ({
      %run_scoped3A = tpu.sem_alloc : memref<!tpu.dma_semaphore, #tpu.memory_space<semaphore_mem>>
      tpu.enqueue_dma source(%arg5 : memref<64xf32, #tpu.memory_space<hbm>>) target(%arg11 : memref<64xf32, #tpu.memory_space<vmem>>) target_semaphore(%run_scoped3A : memref<!tpu.dma_semaphore, #tpu.memory_space<semaphore_mem>>)
      tpu.wait_dma2 semaphore(%run_scoped3A : memref<!tpu.dma_semaphore, #tpu.memory_space<semaphore_mem>>) src(%arg5 : memref<64xf32, #tpu.memory_space<hbm>>) dst(%arg11 : memref<64xf32, #tpu.memory_space<vmem>>)
      tpu.yield
    }) : () -> ()
    %dma_start3A = arith.constant 0 : i32
    %dma_start3A_5 = arith.constant 0 : i32
    %dma_start3A_6 = tpu.memref_slice %arg7[%dma_start3A, %dma_start3A_5] : memref<32x128xi32, #tpu.memory_space<vmem>> -> memref<1x128xi32, #tpu.memory_space<vmem>>
    %dma_start3A_7 = tpu.memref_squeeze %dma_start3A_6 : memref<1x128xi32, #tpu.memory_space<vmem>> -> memref<128xi32, #tpu.memory_space<vmem>>
    %dma_start3A_8 = arith.constant 0 : i32
    %dma_start3A_9 = arith.constant 0 : i32
    %dma_start3A_10 = tpu.memref_slice %arg2[%dma_start3A_8, %dma_start3A_9] : memref<500000x128xi32, #tpu.memory_space<hbm>> -> memref<500000x128xi32, #tpu.memory_space<hbm>>
    tpu.enqueue_indirect_dma source(%dma_start3A_10 : memref<500000x128xi32, #tpu.memory_space<hbm>>) target(%arg9 : memref<128x128xi32, #tpu.memory_space<vmem>>) offsets(%dma_start3A_7 : memref<128xi32, #tpu.memory_space<vmem>>) semaphore(%arg13 : memref<!tpu.dma_semaphore, #tpu.memory_space<semaphore_mem>>)
    %dma_start3A_11 = arith.constant 1 : i32
    %dma_start3A_12 = arith.constant 0 : i32
    %dma_start3A_13 = tpu.memref_slice %arg7[%dma_start3A_11, %dma_start3A_12] : memref<32x128xi32, #tpu.memory_space<vmem>> -> memref<1x128xi32, #tpu.memory_space<vmem>>
    %dma_start3A_14 = tpu.memref_squeeze %dma_start3A_13 : memref<1x128xi32, #tpu.memory_space<vmem>> -> memref<128xi32, #tpu.memory_space<vmem>>
    %dma_start3A_15 = arith.constant 0 : i32
    %dma_start3A_16 = arith.constant 0 : i32
    %dma_start3A_17 = tpu.memref_slice %arg2[%dma_start3A_15, %dma_start3A_16] : memref<500000x128xi32, #tpu.memory_space<hbm>> -> memref<500000x128xi32, #tpu.memory_space<hbm>>
    tpu.enqueue_indirect_dma source(%dma_start3A_17 : memref<500000x128xi32, #tpu.memory_space<hbm>>) target(%arg10 : memref<128x128xi32, #tpu.memory_space<vmem>>) offsets(%dma_start3A_14 : memref<128xi32, #tpu.memory_space<vmem>>) semaphore(%arg14 : memref<!tpu.dma_semaphore, #tpu.memory_space<semaphore_mem>>)
    %scan3A = arith.constant 0 : i32
    %scan3A_18 = arith.constant 0 : i32
    %scan3A_19 = arith.constant 16 : i32
    %scan3A_20 = arith.addi %scan3A_18, %scan3A_19 : i32
    %scan3A_21 = arith.constant 1 : i32
    scf.for %scan3A_23 = %scan3A_18 to %scan3A_20 step %scan3A_21  : i32 {
      %mul3A_24 = arith.constant 2 : i32
      %mul3A_25 = arith.muli %mul3A_24, %scan3A_23 : i32
      %dma_wait3A = arith.constant 0 : i32
      %dma_wait3A_26 = arith.constant 0 : i32
      %dma_wait3A_27 = tpu.memref_slice %arg2[%dma_wait3A, %dma_wait3A_26] : memref<500000x128xi32, #tpu.memory_space<hbm>> -> memref<128x128xi32, #tpu.memory_space<hbm>>
      %dma_wait3A_28 = arith.constant 0 : i32
      %dma_wait3A_29 = arith.constant 0 : i32
      %dma_wait3A_30 = tpu.memref_slice %arg2[%dma_wait3A_28, %dma_wait3A_29] : memref<500000x128xi32, #tpu.memory_space<hbm>> -> memref<128x128xi32, #tpu.memory_space<hbm>>
      tpu.wait_dma2 semaphore(%arg13 : memref<!tpu.dma_semaphore, #tpu.memory_space<semaphore_mem>>) src(%dma_wait3A_30 : memref<128x128xi32, #tpu.memory_space<hbm>>) dst(%arg9 : memref<128x128xi32, #tpu.memory_space<vmem>>)
      %scan3A_31 = arith.constant 0 : i32
      %scan3A_32 = arith.constant 0 : i32
      %scan3A_33 = arith.constant 16 : i32
      %scan3A_34 = arith.addi %scan3A_32, %scan3A_33 : i32
      %scan3A_35 = arith.constant 1 : i32
      scf.for %scan3A_74 = %scan3A_32 to %scan3A_34 step %scan3A_35  : i32 {
        %mul3A_75 = arith.constant 8 : i32
        %mul3A_76 = arith.muli %scan3A_74, %mul3A_75 : i32
        %mul3A_77 = arith.constant 16 : i32
        %mul3A_78 = arith.muli %mul3A_25, %mul3A_77 : i32
        %add3A_79 = arith.addi %mul3A_78, %scan3A_74 : i32
        %get3A = arith.index_cast %add3A_79 : i32 to index
        %get3A_80 = arith.constant 0 : index
        %get3A_81 = tpu.vector_load %arg8[%get3A, %get3A_80] {strides = array<i32>} : memref<512x128xi32, #tpu.memory_space<vmem>>, vector<1x16xi32>,
        %get3A_82 = vector.shape_cast %get3A_81 : vector<1x16xi32> to vector<16xi32>
        %ne3A = arith.constant 0 : i32
        %ne3A_83 = vector.broadcast %ne3A : i32 to vector<16xi32>
        %ne3A_84 = arith.cmpi ne, %get3A_82, %ne3A_83 : vector<16xi32>
        %mul3A_85 = arith.constant 16 : i32
        %mul3A_86 = arith.muli %mul3A_25, %mul3A_85 : i32
        %add3A_87 = arith.addi %mul3A_86, %scan3A_74 : i32
        %get3A_88 = arith.index_cast %add3A_87 : i32 to index
        %get3A_89 = arith.constant 16 : index
        %get3A_90 = tpu.vector_load %arg8[%get3A_88, %get3A_89] {strides = array<i32>} : memref<512x128xi32, #tpu.memory_space<vmem>>, vector<1x16xi32>,
        %get3A_91 = vector.shape_cast %get3A_90 : vector<1x16xi32> to vector<16xi32>
        %ne3A_92 = arith.constant 0 : i32
        %ne3A_93 = vector.broadcast %ne3A_92 : i32 to vector<16xi32>
        %ne3A_94 = arith.cmpi ne, %get3A_91, %ne3A_93 : vector<16xi32>
        %add3A_95 = arith.constant 0 : i32
        %add3A_96 = arith.addi %mul3A_76, %add3A_95 : i32
        %get3A_97 = arith.index_cast %add3A_96 : i32 to index
        %get3A_98 = arith.constant 64 : index
        %get3A_99 = tpu.vector_load %arg9[%get3A_97, %get3A_98] {strides = array<i32>} : memref<128x128xi32, #tpu.memory_space<vmem>>, vector<1x16xi32>,
        %get3A_100 = vector.shape_cast %get3A_99 : vector<1x16xi32> to vector<16xi32>
        %and3A = arith.constant -65536 : i32
        %and3A_101 = vector.broadcast %and3A : i32 to vector<16xi32>
        %and3A_102 = arith.andi %get3A_100, %and3A_101 : vector<16xi32>
        %bitcast_convert_type3A = tpu.bitcast %and3A_102 : vector<16xi32> -> vector<16xf32>
        %shift_left3A = arith.constant 16 : i32
        %shift_left3A_103 = vector.broadcast %shift_left3A : i32 to vector<16xi32>
        %shift_left3A_104 = arith.shli %get3A_100, %shift_left3A_103 : vector<16xi32>
        %bitcast_convert_type3A_105 = tpu.bitcast %shift_left3A_104 : vector<16xi32> -> vector<16xf32>
        %select_n3A = arith.select %ne3A_84, %bitcast_convert_type3A, %bitcast_convert_type3A_105 : vector<16xi1>, vector<16xf32>
        %add3A_106 = arith.constant 1 : i32
        %add3A_107 = arith.addi %mul3A_76, %add3A_106 : i32
        %get3A_108 = arith.index_cast %add3A_107 : i32 to index
        %get3A_109 = arith.constant 64 : index
        %get3A_110 = tpu.vector_load %arg9[%get3A_108, %get3A_109] {strides = array<i32>} : memref<128x128xi32, #tpu.memory_space<vmem>>, vector<1x16xi32>,
        %get3A_111 = vector.shape_cast %get3A_110 : vector<1x16xi32> to vector<16xi32>
        %and3A_112 = arith.constant -65536 : i32
        %and3A_113 = vector.broadcast %and3A_112 : i32 to vector<16xi32>
        %and3A_114 = arith.andi %get3A_111, %and3A_113 : vector<16xi32>
        %bitcast_convert_type3A_115 = tpu.bitcast %and3A_114 : vector<16xi32> -> vector<16xf32>
        %shift_left3A_116 = arith.constant 16 : i32
        %shift_left3A_117 = vector.broadcast %shift_left3A_116 : i32 to vector<16xi32>
        %shift_left3A_118 = arith.shli %get3A_111, %shift_left3A_117 : vector<16xi32>
        %bitcast_convert_type3A_119 = tpu.bitcast %shift_left3A_118 : vector<16xi32> -> vector<16xf32>
        %select_n3A_120 = arith.select %ne3A_94, %bitcast_convert_type3A_115, %bitcast_convert_type3A_119 : vector<16xi1>, vector<16xf32>
        %add3A_121 = arith.addf %select_n3A, %select_n3A_120 : vector<16xf32>
        %get3A_122 = arith.constant 0 : index
        %get3A_123 = tpu.vector_load %arg11[%get3A_122] {strides = array<i32>} : memref<64xf32, #tpu.memory_space<vmem>>, vector<16xf32>,
        %get3A_124 = vector.shape_cast %get3A_123 : vector<16xf32> to vector<16xf32>
        %add3A_125 = arith.addf %add3A_121, %get3A_124 : vector<16xf32>
        %add3A_126 = arith.constant 0 : i32
        %add3A_127 = arith.addi %mul3A_76, %add3A_126 : i32
        %get3A_128 = arith.index_cast %add3A_127 : i32 to index
        %get3A_129 = arith.constant 80 : index
        %get3A_130 = tpu.vector_load %arg9[%get3A_128, %get3A_129] {strides = array<i32>} : memref<128x128xi32, #tpu.memory_space<vmem>>, vector<1x16xi32>,
        %get3A_131 = vector.shape_cast %get3A_130 : vector<1x16xi32> to vector<16xi32>
        %and3A_132 = arith.constant -65536 : i32
        %and3A_133 = vector.broadcast %and3A_132 : i32 to vector<16xi32>
        %and3A_134 = arith.andi %get3A_131, %and3A_133 : vector<16xi32>
        %bitcast_convert_type3A_135 = tpu.bitcast %and3A_134 : vector<16xi32> -> vector<16xf32>
        %shift_left3A_136 = arith.constant 16 : i32
        %shift_left3A_137 = vector.broadcast %shift_left3A_136 : i32 to vector<16xi32>
        %shift_left3A_138 = arith.shli %get3A_131, %shift_left3A_137 : vector<16xi32>
        %bitcast_convert_type3A_139 = tpu.bitcast %shift_left3A_138 : vector<16xi32> -> vector<16xf32>
        %select_n3A_140 = arith.select %ne3A_84, %bitcast_convert_type3A_135, %bitcast_convert_type3A_139 : vector<16xi1>, vector<16xf32>
        %add3A_141 = arith.constant 1 : i32
        %add3A_142 = arith.addi %mul3A_76, %add3A_141 : i32
        %get3A_143 = arith.index_cast %add3A_142 : i32 to index
        %get3A_144 = arith.constant 80 : index
        %get3A_145 = tpu.vector_load %arg9[%get3A_143, %get3A_144] {strides = array<i32>} : memref<128x128xi32, #tpu.memory_space<vmem>>, vector<1x16xi32>,
        %get3A_146 = vector.shape_cast %get3A_145 : vector<1x16xi32> to vector<16xi32>
        %and3A_147 = arith.constant -65536 : i32
        %and3A_148 = vector.broadcast %and3A_147 : i32 to vector<16xi32>
        %and3A_149 = arith.andi %get3A_146, %and3A_148 : vector<16xi32>
        %bitcast_convert_type3A_150 = tpu.bitcast %and3A_149 : vector<16xi32> -> vector<16xf32>
        %shift_left3A_151 = arith.constant 16 : i32
        %shift_left3A_152 = vector.broadcast %shift_left3A_151 : i32 to vector<16xi32>
        %shift_left3A_153 = arith.shli %get3A_146, %shift_left3A_152 : vector<16xi32>
        %bitcast_convert_type3A_154 = tpu.bitcast %shift_left3A_153 : vector<16xi32> -> vector<16xf32>
        %select_n3A_155 = arith.select %ne3A_94, %bitcast_convert_type3A_150, %bitcast_convert_type3A_154 : vector<16xi1>, vector<16xf32>
        %add3A_156 = arith.addf %select_n3A_140, %select_n3A_155 : vector<16xf32>
        %get3A_157 = arith.constant 16 : index
        %get3A_158 = tpu.vector_load %arg11[%get3A_157] {strides = array<i32>} : memref<64xf32, #tpu.memory_space<vmem>>, vector<16xf32>,
        %get3A_159 = vector.shape_cast %get3A_158 : vector<16xf32> to vector<16xf32>
        %add3A_160 = arith.addf %add3A_156, %get3A_159 : vector<16xf32>
        %add3A_161 = arith.constant 0 : i32
        %add3A_162 = arith.addi %mul3A_76, %add3A_161 : i32
        %get3A_163 = arith.index_cast %add3A_162 : i32 to index
        %get3A_164 = arith.constant 96 : index
        %get3A_165 = tpu.vector_load %arg9[%get3A_163, %get3A_164] {strides = array<i32>} : memref<128x128xi32, #tpu.memory_space<vmem>>, vector<1x16xi32>,
        %get3A_166 = vector.shape_cast %get3A_165 : vector<1x16xi32> to vector<16xi32>
        %and3A_167 = arith.constant -65536 : i32
        %and3A_168 = vector.broadcast %and3A_167 : i32 to vector<16xi32>
        %and3A_169 = arith.andi %get3A_166, %and3A_168 : vector<16xi32>
        %bitcast_convert_type3A_170 = tpu.bitcast %and3A_169 : vector<16xi32> -> vector<16xf32>
        %shift_left3A_171 = arith.constant 16 : i32
        %shift_left3A_172 = vector.broadcast %shift_left3A_171 : i32 to vector<16xi32>
        %shift_left3A_173 = arith.shli %get3A_166, %shift_left3A_172 : vector<16xi32>
        %bitcast_convert_type3A_174 = tpu.bitcast %shift_left3A_173 : vector<16xi32> -> vector<16xf32>
        %select_n3A_175 = arith.select %ne3A_84, %bitcast_convert_type3A_170, %bitcast_convert_type3A_174 : vector<16xi1>, vector<16xf32>
        %add3A_176 = arith.constant 1 : i32
        %add3A_177 = arith.addi %mul3A_76, %add3A_176 : i32
        %get3A_178 = arith.index_cast %add3A_177 : i32 to index
        %get3A_179 = arith.constant 96 : index
        %get3A_180 = tpu.vector_load %arg9[%get3A_178, %get3A_179] {strides = array<i32>} : memref<128x128xi32, #tpu.memory_space<vmem>>, vector<1x16xi32>,
        %get3A_181 = vector.shape_cast %get3A_180 : vector<1x16xi32> to vector<16xi32>
        %and3A_182 = arith.constant -65536 : i32
        %and3A_183 = vector.broadcast %and3A_182 : i32 to vector<16xi32>
        %and3A_184 = arith.andi %get3A_181, %and3A_183 : vector<16xi32>
        %bitcast_convert_type3A_185 = tpu.bitcast %and3A_184 : vector<16xi32> -> vector<16xf32>
        %shift_left3A_186 = arith.constant 16 : i32
        %shift_left3A_187 = vector.broadcast %shift_left3A_186 : i32 to vector<16xi32>
        %shift_left3A_188 = arith.shli %get3A_181, %shift_left3A_187 : vector<16xi32>
        %bitcast_convert_type3A_189 = tpu.bitcast %shift_left3A_188 : vector<16xi32> -> vector<16xf32>
        %select_n3A_190 = arith.select %ne3A_94, %bitcast_convert_type3A_185, %bitcast_convert_type3A_189 : vector<16xi1>, vector<16xf32>
        %add3A_191 = arith.addf %select_n3A_175, %select_n3A_190 : vector<16xf32>
        %get3A_192 = arith.constant 32 : index
        %get3A_193 = tpu.vector_load %arg11[%get3A_192] {strides = array<i32>} : memref<64xf32, #tpu.memory_space<vmem>>, vector<16xf32>,
        %get3A_194 = vector.shape_cast %get3A_193 : vector<16xf32> to vector<16xf32>
        %add3A_195 = arith.addf %add3A_191, %get3A_194 : vector<16xf32>
        %add3A_196 = arith.constant 0 : i32
        %add3A_197 = arith.addi %mul3A_76, %add3A_196 : i32
        %get3A_198 = arith.index_cast %add3A_197 : i32 to index
        %get3A_199 = arith.constant 112 : index
        %get3A_200 = tpu.vector_load %arg9[%get3A_198, %get3A_199] {strides = array<i32>} : memref<128x128xi32, #tpu.memory_space<vmem>>, vector<1x16xi32>,
        %get3A_201 = vector.shape_cast %get3A_200 : vector<1x16xi32> to vector<16xi32>
        %and3A_202 = arith.constant -65536 : i32
        %and3A_203 = vector.broadcast %and3A_202 : i32 to vector<16xi32>
        %and3A_204 = arith.andi %get3A_201, %and3A_203 : vector<16xi32>
        %bitcast_convert_type3A_205 = tpu.bitcast %and3A_204 : vector<16xi32> -> vector<16xf32>
        %shift_left3A_206 = arith.constant 16 : i32
        %shift_left3A_207 = vector.broadcast %shift_left3A_206 : i32 to vector<16xi32>
        %shift_left3A_208 = arith.shli %get3A_201, %shift_left3A_207 : vector<16xi32>
        %bitcast_convert_type3A_209 = tpu.bitcast %shift_left3A_208 : vector<16xi32> -> vector<16xf32>
        %select_n3A_210 = arith.select %ne3A_84, %bitcast_convert_type3A_205, %bitcast_convert_type3A_209 : vector<16xi1>, vector<16xf32>
        %add3A_211 = arith.constant 1 : i32
        %add3A_212 = arith.addi %mul3A_76, %add3A_211 : i32
        %get3A_213 = arith.index_cast %add3A_212 : i32 to index
        %get3A_214 = arith.constant 112 : index
        %get3A_215 = tpu.vector_load %arg9[%get3A_213, %get3A_214] {strides = array<i32>} : memref<128x128xi32, #tpu.memory_space<vmem>>, vector<1x16xi32>,
        %get3A_216 = vector.shape_cast %get3A_215 : vector<1x16xi32> to vector<16xi32>
        %and3A_217 = arith.constant -65536 : i32
        %and3A_218 = vector.broadcast %and3A_217 : i32 to vector<16xi32>
        %and3A_219 = arith.andi %get3A_216, %and3A_218 : vector<16xi32>
        %bitcast_convert_type3A_220 = tpu.bitcast %and3A_219 : vector<16xi32> -> vector<16xf32>
        %shift_left3A_221 = arith.constant 16 : i32
        %shift_left3A_222 = vector.broadcast %shift_left3A_221 : i32 to vector<16xi32>
        %shift_left3A_223 = arith.shli %get3A_216, %shift_left3A_222 : vector<16xi32>
        %bitcast_convert_type3A_224 = tpu.bitcast %shift_left3A_223 : vector<16xi32> -> vector<16xf32>
        %select_n3A_225 = arith.select %ne3A_94, %bitcast_convert_type3A_220, %bitcast_convert_type3A_224 : vector<16xi1>, vector<16xf32>
        %add3A_226 = arith.addf %select_n3A_210, %select_n3A_225 : vector<16xf32>
        %get3A_227 = arith.constant 48 : index
        %get3A_228 = tpu.vector_load %arg11[%get3A_227] {strides = array<i32>} : memref<64xf32, #tpu.memory_space<vmem>>, vector<16xf32>,
        %get3A_229 = vector.shape_cast %get3A_228 : vector<16xf32> to vector<16xf32>
        %add3A_230 = arith.addf %add3A_226, %get3A_229 : vector<16xf32>
        %mul3A_231 = arith.constant 16 : i32
        %mul3A_232 = arith.muli %mul3A_25, %mul3A_231 : i32
        %add3A_233 = arith.addi %mul3A_232, %scan3A_74 : i32
        %get3A_234 = arith.index_cast %add3A_233 : i32 to index
        %get3A_235 = arith.constant 32 : index
        %get3A_236 = tpu.vector_load %arg8[%get3A_234, %get3A_235] {strides = array<i32>} : memref<512x128xi32, #tpu.memory_space<vmem>>, vector<1x16xi32>,
        %get3A_237 = vector.shape_cast %get3A_236 : vector<1x16xi32> to vector<16xi32>
        %ne3A_238 = arith.constant 0 : i32
        %ne3A_239 = vector.broadcast %ne3A_238 : i32 to vector<16xi32>
        %ne3A_240 = arith.cmpi ne, %get3A_237, %ne3A_239 : vector<16xi32>
        %add3A_241 = arith.constant 2 : i32
        %add3A_242 = arith.addi %mul3A_76, %add3A_241 : i32
        %get3A_243 = arith.index_cast %add3A_242 : i32 to index
        %get3A_244 = arith.constant 0 : index
        %get3A_245 = tpu.vector_load %arg9[%get3A_243, %get3A_244] {strides = array<i32>} : memref<128x128xi32, #tpu.memory_space<vmem>>, vector<1x16xi32>,
        %get3A_246 = vector.shape_cast %get3A_245 : vector<1x16xi32> to vector<16xi32>
        %and3A_247 = arith.constant -65536 : i32
        %and3A_248 = vector.broadcast %and3A_247 : i32 to vector<16xi32>
        %and3A_249 = arith.andi %get3A_246, %and3A_248 : vector<16xi32>
        %bitcast_convert_type3A_250 = tpu.bitcast %and3A_249 : vector<16xi32> -> vector<16xf32>
        %shift_left3A_251 = arith.constant 16 : i32
        %shift_left3A_252 = vector.broadcast %shift_left3A_251 : i32 to vector<16xi32>
        %shift_left3A_253 = arith.shli %get3A_246, %shift_left3A_252 : vector<16xi32>
        %bitcast_convert_type3A_254 = tpu.bitcast %shift_left3A_253 : vector<16xi32> -> vector<16xf32>
        %select_n3A_255 = arith.select %ne3A_240, %bitcast_convert_type3A_250, %bitcast_convert_type3A_254 : vector<16xi1>, vector<16xf32>
        %mul3A_256 = arith.mulf %add3A_125, %select_n3A_255 : vector<16xf32>
        %add3A_257 = arith.constant 2 : i32
        %add3A_258 = arith.addi %mul3A_76, %add3A_257 : i32
        %get3A_259 = arith.index_cast %add3A_258 : i32 to index
        %get3A_260 = arith.constant 16 : index
        %get3A_261 = tpu.vector_load %arg9[%get3A_259, %get3A_260] {strides = array<i32>} : memref<128x128xi32, #tpu.memory_space<vmem>>, vector<1x16xi32>,
        %get3A_262 = vector.shape_cast %get3A_261 : vector<1x16xi32> to vector<16xi32>
        %and3A_263 = arith.constant -65536 : i32
        %and3A_264 = vector.broadcast %and3A_263 : i32 to vector<16xi32>
        %and3A_265 = arith.andi %get3A_262, %and3A_264 : vector<16xi32>
        %bitcast_convert_type3A_266 = tpu.bitcast %and3A_265 : vector<16xi32> -> vector<16xf32>
        %shift_left3A_267 = arith.constant 16 : i32
        %shift_left3A_268 = vector.broadcast %shift_left3A_267 : i32 to vector<16xi32>
        %shift_left3A_269 = arith.shli %get3A_262, %shift_left3A_268 : vector<16xi32>
        %bitcast_convert_type3A_270 = tpu.bitcast %shift_left3A_269 : vector<16xi32> -> vector<16xf32>
        %select_n3A_271 = arith.select %ne3A_240, %bitcast_convert_type3A_266, %bitcast_convert_type3A_270 : vector<16xi1>, vector<16xf32>
        %mul3A_272 = arith.mulf %add3A_160, %select_n3A_271 : vector<16xf32>
        %add3A_273 = arith.addf %mul3A_256, %mul3A_272 : vector<16xf32>
        %add3A_274 = arith.constant 2 : i32
        %add3A_275 = arith.addi %mul3A_76, %add3A_274 : i32
        %get3A_276 = arith.index_cast %add3A_275 : i32 to index
        %get3A_277 = arith.constant 32 : index
        %get3A_278 = tpu.vector_load %arg9[%get3A_276, %get3A_277] {strides = array<i32>} : memref<128x128xi32, #tpu.memory_space<vmem>>, vector<1x16xi32>,
        %get3A_279 = vector.shape_cast %get3A_278 : vector<1x16xi32> to vector<16xi32>
        %and3A_280 = arith.constant -65536 : i32
        %and3A_281 = vector.broadcast %and3A_280 : i32 to vector<16xi32>
        %and3A_282 = arith.andi %get3A_279, %and3A_281 : vector<16xi32>
        %bitcast_convert_type3A_283 = tpu.bitcast %and3A_282 : vector<16xi32> -> vector<16xf32>
        %shift_left3A_284 = arith.constant 16 : i32
        %shift_left3A_285 = vector.broadcast %shift_left3A_284 : i32 to vector<16xi32>
        %shift_left3A_286 = arith.shli %get3A_279, %shift_left3A_285 : vector<16xi32>
        %bitcast_convert_type3A_287 = tpu.bitcast %shift_left3A_286 : vector<16xi32> -> vector<16xf32>
        %select_n3A_288 = arith.select %ne3A_240, %bitcast_convert_type3A_283, %bitcast_convert_type3A_287 : vector<16xi1>, vector<16xf32>
        %mul3A_289 = arith.mulf %add3A_195, %select_n3A_288 : vector<16xf32>
        %add3A_290 = arith.addf %add3A_273, %mul3A_289 : vector<16xf32>
        %add3A_291 = arith.constant 2 : i32
        %add3A_292 = arith.addi %mul3A_76, %add3A_291 : i32
        %get3A_293 = arith.index_cast %add3A_292 : i32 to index
        %get3A_294 = arith.constant 48 : index
        %get3A_295 = tpu.vector_load %arg9[%get3A_293, %get3A_294] {strides = array<i32>} : memref<128x128xi32, #tpu.memory_space<vmem>>, vector<1x16xi32>,
        %get3A_296 = vector.shape_cast %get3A_295 : vector<1x16xi32> to vector<16xi32>
        %and3A_297 = arith.constant -65536 : i32
        %and3A_298 = vector.broadcast %and3A_297 : i32 to vector<16xi32>
        %and3A_299 = arith.andi %get3A_296, %and3A_298 : vector<16xi32>
        %bitcast_convert_type3A_300 = tpu.bitcast %and3A_299 : vector<16xi32> -> vector<16xf32>
        %shift_left3A_301 = arith.constant 16 : i32
        %shift_left3A_302 = vector.broadcast %shift_left3A_301 : i32 to vector<16xi32>
        %shift_left3A_303 = arith.shli %get3A_296, %shift_left3A_302 : vector<16xi32>
        %bitcast_convert_type3A_304 = tpu.bitcast %shift_left3A_303 : vector<16xi32> -> vector<16xf32>
        %select_n3A_305 = arith.select %ne3A_240, %bitcast_convert_type3A_300, %bitcast_convert_type3A_304 : vector<16xi1>, vector<16xf32>
        %mul3A_306 = arith.mulf %add3A_230, %select_n3A_305 : vector<16xf32>
        %add3A_307 = arith.addf %add3A_290, %mul3A_306 : vector<16xf32>
        %swap3A = arith.index_cast %scan3A_74 : i32 to index
        %swap3A_308 = arith.constant 0 : index
        %swap3A_309 = tpu.vector_load %arg12[%swap3A, %swap3A_308] {strides = array<i32>} : memref<16x128xf32, #tpu.memory_space<vmem>>, vector<1x16xf32>,
        %swap3A_310 = vector.shape_cast %swap3A_309 : vector<1x16xf32> to vector<16xf32>
        %swap3A_311 = vector.shape_cast %add3A_307 : vector<16xf32> to vector<1x16xf32>
        tpu.vector_store %arg12[%swap3A, %swap3A_308], %swap3A_311 {strides = array<i32>} : memref<16x128xf32, #tpu.memory_space<vmem>>, vector<1x16xf32>,
        %mul3A_312 = arith.constant 16 : i32
        %mul3A_313 = arith.muli %mul3A_25, %mul3A_312 : i32
        %add3A_314 = arith.addi %mul3A_313, %scan3A_74 : i32
        %get3A_315 = arith.index_cast %add3A_314 : i32 to index
        %get3A_316 = arith.constant 48 : index
        %get3A_317 = tpu.vector_load %arg8[%get3A_315, %get3A_316] {strides = array<i32>} : memref<512x128xi32, #tpu.memory_space<vmem>>, vector<1x16xi32>,
        %get3A_318 = vector.shape_cast %get3A_317 : vector<1x16xi32> to vector<16xi32>
        %ne3A_319 = arith.constant 0 : i32
        %ne3A_320 = vector.broadcast %ne3A_319 : i32 to vector<16xi32>
        %ne3A_321 = arith.cmpi ne, %get3A_318, %ne3A_320 : vector<16xi32>
        %add3A_322 = arith.constant 3 : i32
        %add3A_323 = arith.addi %mul3A_76, %add3A_322 : i32
        %get3A_324 = arith.index_cast %add3A_323 : i32 to index
        %get3A_325 = arith.constant 0 : index
        %get3A_326 = tpu.vector_load %arg9[%get3A_324, %get3A_325] {strides = array<i32>} : memref<128x128xi32, #tpu.memory_space<vmem>>, vector<1x16xi32>,
        %get3A_327 = vector.shape_cast %get3A_326 : vector<1x16xi32> to vector<16xi32>
        %and3A_328 = arith.constant -65536 : i32
        %and3A_329 = vector.broadcast %and3A_328 : i32 to vector<16xi32>
        %and3A_330 = arith.andi %get3A_327, %and3A_329 : vector<16xi32>
        %bitcast_convert_type3A_331 = tpu.bitcast %and3A_330 : vector<16xi32> -> vector<16xf32>
        %shift_left3A_332 = arith.constant 16 : i32
        %shift_left3A_333 = vector.broadcast %shift_left3A_332 : i32 to vector<16xi32>
        %shift_left3A_334 = arith.shli %get3A_327, %shift_left3A_333 : vector<16xi32>
        %bitcast_convert_type3A_335 = tpu.bitcast %shift_left3A_334 : vector<16xi32> -> vector<16xf32>
        %select_n3A_336 = arith.select %ne3A_321, %bitcast_convert_type3A_331, %bitcast_convert_type3A_335 : vector<16xi1>, vector<16xf32>
        %mul3A_337 = arith.mulf %add3A_125, %select_n3A_336 : vector<16xf32>
        %add3A_338 = arith.constant 3 : i32
        %add3A_339 = arith.addi %mul3A_76, %add3A_338 : i32
        %get3A_340 = arith.index_cast %add3A_339 : i32 to index
        %get3A_341 = arith.constant 16 : index
        %get3A_342 = tpu.vector_load %arg9[%get3A_340, %get3A_341] {strides = array<i32>} : memref<128x128xi32, #tpu.memory_space<vmem>>, vector<1x16xi32>,
        %get3A_343 = vector.shape_cast %get3A_342 : vector<1x16xi32> to vector<16xi32>
        %and3A_344 = arith.constant -65536 : i32
        %and3A_345 = vector.broadcast %and3A_344 : i32 to vector<16xi32>
        %and3A_346 = arith.andi %get3A_343, %and3A_345 : vector<16xi32>
        %bitcast_convert_type3A_347 = tpu.bitcast %and3A_346 : vector<16xi32> -> vector<16xf32>
        %shift_left3A_348 = arith.constant 16 : i32
        %shift_left3A_349 = vector.broadcast %shift_left3A_348 : i32 to vector<16xi32>
        %shift_left3A_350 = arith.shli %get3A_343, %shift_left3A_349 : vector<16xi32>
        %bitcast_convert_type3A_351 = tpu.bitcast %shift_left3A_350 : vector<16xi32> -> vector<16xf32>
        %select_n3A_352 = arith.select %ne3A_321, %bitcast_convert_type3A_347, %bitcast_convert_type3A_351 : vector<16xi1>, vector<16xf32>
        %mul3A_353 = arith.mulf %add3A_160, %select_n3A_352 : vector<16xf32>
        %add3A_354 = arith.addf %mul3A_337, %mul3A_353 : vector<16xf32>
        %add3A_355 = arith.constant 3 : i32
        %add3A_356 = arith.addi %mul3A_76, %add3A_355 : i32
        %get3A_357 = arith.index_cast %add3A_356 : i32 to index
        %get3A_358 = arith.constant 32 : index
        %get3A_359 = tpu.vector_load %arg9[%get3A_357, %get3A_358] {strides = array<i32>} : memref<128x128xi32, #tpu.memory_space<vmem>>, vector<1x16xi32>,
        %get3A_360 = vector.shape_cast %get3A_359 : vector<1x16xi32> to vector<16xi32>
        %and3A_361 = arith.constant -65536 : i32
        %and3A_362 = vector.broadcast %and3A_361 : i32 to vector<16xi32>
        %and3A_363 = arith.andi %get3A_360, %and3A_362 : vector<16xi32>
        %bitcast_convert_type3A_364 = tpu.bitcast %and3A_363 : vector<16xi32> -> vector<16xf32>
        %shift_left3A_365 = arith.constant 16 : i32
        %shift_left3A_366 = vector.broadcast %shift_left3A_365 : i32 to vector<16xi32>
        %shift_left3A_367 = arith.shli %get3A_360, %shift_left3A_366 : vector<16xi32>
        %bitcast_convert_type3A_368 = tpu.bitcast %shift_left3A_367 : vector<16xi32> -> vector<16xf32>
        %select_n3A_369 = arith.select %ne3A_321, %bitcast_convert_type3A_364, %bitcast_convert_type3A_368 : vector<16xi1>, vector<16xf32>
        %mul3A_370 = arith.mulf %add3A_195, %select_n3A_369 : vector<16xf32>
        %add3A_371 = arith.addf %add3A_354, %mul3A_370 : vector<16xf32>
        %add3A_372 = arith.constant 3 : i32
        %add3A_373 = arith.addi %mul3A_76, %add3A_372 : i32
        %get3A_374 = arith.index_cast %add3A_373 : i32 to index
        %get3A_375 = arith.constant 48 : index
        %get3A_376 = tpu.vector_load %arg9[%get3A_374, %get3A_375] {strides = array<i32>} : memref<128x128xi32, #tpu.memory_space<vmem>>, vector<1x16xi32>,
        %get3A_377 = vector.shape_cast %get3A_376 : vector<1x16xi32> to vector<16xi32>
        %and3A_378 = arith.constant -65536 : i32
        %and3A_379 = vector.broadcast %and3A_378 : i32 to vector<16xi32>
        %and3A_380 = arith.andi %get3A_377, %and3A_379 : vector<16xi32>
        %bitcast_convert_type3A_381 = tpu.bitcast %and3A_380 : vector<16xi32> -> vector<16xf32>
        %shift_left3A_382 = arith.constant 16 : i32
        %shift_left3A_383 = vector.broadcast %shift_left3A_382 : i32 to vector<16xi32>
        %shift_left3A_384 = arith.shli %get3A_377, %shift_left3A_383 : vector<16xi32>
        %bitcast_convert_type3A_385 = tpu.bitcast %shift_left3A_384 : vector<16xi32> -> vector<16xf32>
        %select_n3A_386 = arith.select %ne3A_321, %bitcast_convert_type3A_381, %bitcast_convert_type3A_385 : vector<16xi1>, vector<16xf32>
        %mul3A_387 = arith.mulf %add3A_230, %select_n3A_386 : vector<16xf32>
        %add3A_388 = arith.addf %add3A_371, %mul3A_387 : vector<16xf32>
        %swap3A_389 = arith.index_cast %scan3A_74 : i32 to index
        %swap3A_390 = arith.constant 16 : index
        %swap3A_391 = tpu.vector_load %arg12[%swap3A_389, %swap3A_390] {strides = array<i32>} : memref<16x128xf32, #tpu.memory_space<vmem>>, vector<1x16xf32>,
        %swap3A_392 = vector.shape_cast %swap3A_391 : vector<1x16xf32> to vector<16xf32>
        %swap3A_393 = vector.shape_cast %add3A_388 : vector<16xf32> to vector<1x16xf32>
        tpu.vector_store %arg12[%swap3A_389, %swap3A_390], %swap3A_393 {strides = array<i32>} : memref<16x128xf32, #tpu.memory_space<vmem>>, vector<1x16xf32>,
        %mul3A_394 = arith.constant 16 : i32
        %mul3A_395 = arith.muli %mul3A_25, %mul3A_394 : i32
        %add3A_396 = arith.addi %mul3A_395, %scan3A_74 : i32
        %get3A_397 = arith.index_cast %add3A_396 : i32 to index
        %get3A_398 = arith.constant 64 : index
        %get3A_399 = tpu.vector_load %arg8[%get3A_397, %get3A_398] {strides = array<i32>} : memref<512x128xi32, #tpu.memory_space<vmem>>, vector<1x16xi32>,
        %get3A_400 = vector.shape_cast %get3A_399 : vector<1x16xi32> to vector<16xi32>
        %ne3A_401 = arith.constant 0 : i32
        %ne3A_402 = vector.broadcast %ne3A_401 : i32 to vector<16xi32>
        %ne3A_403 = arith.cmpi ne, %get3A_400, %ne3A_402 : vector<16xi32>
        %add3A_404 = arith.constant 4 : i32
        %add3A_405 = arith.addi %mul3A_76, %add3A_404 : i32
        %get3A_406 = arith.index_cast %add3A_405 : i32 to index
        %get3A_407 = arith.constant 0 : index
        %get3A_408 = tpu.vector_load %arg9[%get3A_406, %get3A_407] {strides = array<i32>} : memref<128x128xi32, #tpu.memory_space<vmem>>, vector<1x16xi32>,
        %get3A_409 = vector.shape_cast %get3A_408 : vector<1x16xi32> to vector<16xi32>
        %and3A_410 = arith.constant -65536 : i32
        %and3A_411 = vector.broadcast %and3A_410 : i32 to vector<16xi32>
        %and3A_412 = arith.andi %get3A_409, %and3A_411 : vector<16xi32>
        %bitcast_convert_type3A_413 = tpu.bitcast %and3A_412 : vector<16xi32> -> vector<16xf32>
        %shift_left3A_414 = arith.constant 16 : i32
        %shift_left3A_415 = vector.broadcast %shift_left3A_414 : i32 to vector<16xi32>
        %shift_left3A_416 = arith.shli %get3A_409, %shift_left3A_415 : vector<16xi32>
        %bitcast_convert_type3A_417 = tpu.bitcast %shift_left3A_416 : vector<16xi32> -> vector<16xf32>
        %select_n3A_418 = arith.select %ne3A_403, %bitcast_convert_type3A_413, %bitcast_convert_type3A_417 : vector<16xi1>, vector<16xf32>
        %mul3A_419 = arith.mulf %add3A_125, %select_n3A_418 : vector<16xf32>
        %add3A_420 = arith.constant 4 : i32
        %add3A_421 = arith.addi %mul3A_76, %add3A_420 : i32
        %get3A_422 = arith.index_cast %add3A_421 : i32 to index
        %get3A_423 = arith.constant 16 : index
        %get3A_424 = tpu.vector_load %arg9[%get3A_422, %get3A_423] {strides = array<i32>} : memref<128x128xi32, #tpu.memory_space<vmem>>, vector<1x16xi32>,
        %get3A_425 = vector.shape_cast %get3A_424 : vector<1x16xi32> to vector<16xi32>
        %and3A_426 = arith.constant -65536 : i32
        %and3A_427 = vector.broadcast %and3A_426 : i32 to vector<16xi32>
        %and3A_428 = arith.andi %get3A_425, %and3A_427 : vector<16xi32>
        %bitcast_convert_type3A_429 = tpu.bitcast %and3A_428 : vector<16xi32> -> vector<16xf32>
        %shift_left3A_430 = arith.constant 16 : i32
        %shift_left3A_431 = vector.broadcast %shift_left3A_430 : i32 to vector<16xi32>
        %shift_left3A_432 = arith.shli %get3A_425, %shift_left3A_431 : vector<16xi32>
        %bitcast_convert_type3A_433 = tpu.bitcast %shift_left3A_432 : vector<16xi32> -> vector<16xf32>
        %select_n3A_434 = arith.select %ne3A_403, %bitcast_convert_type3A_429, %bitcast_convert_type3A_433 : vector<16xi1>, vector<16xf32>
        %mul3A_435 = arith.mulf %add3A_160, %select_n3A_434 : vector<16xf32>
        %add3A_436 = arith.addf %mul3A_419, %mul3A_435 : vector<16xf32>
        %add3A_437 = arith.constant 4 : i32
        %add3A_438 = arith.addi %mul3A_76, %add3A_437 : i32
        %get3A_439 = arith.index_cast %add3A_438 : i32 to index
        %get3A_440 = arith.constant 32 : index
        %get3A_441 = tpu.vector_load %arg9[%get3A_439, %get3A_440] {strides = array<i32>} : memref<128x128xi32, #tpu.memory_space<vmem>>, vector<1x16xi32>,
        %get3A_442 = vector.shape_cast %get3A_441 : vector<1x16xi32> to vector<16xi32>
        %and3A_443 = arith.constant -65536 : i32
        %and3A_444 = vector.broadcast %and3A_443 : i32 to vector<16xi32>
        %and3A_445 = arith.andi %get3A_442, %and3A_444 : vector<16xi32>
        %bitcast_convert_type3A_446 = tpu.bitcast %and3A_445 : vector<16xi32> -> vector<16xf32>
        %shift_left3A_447 = arith.constant 16 : i32
        %shift_left3A_448 = vector.broadcast %shift_left3A_447 : i32 to vector<16xi32>
        %shift_left3A_449 = arith.shli %get3A_442, %shift_left3A_448 : vector<16xi32>
        %bitcast_convert_type3A_450 = tpu.bitcast %shift_left3A_449 : vector<16xi32> -> vector<16xf32>
        %select_n3A_451 = arith.select %ne3A_403, %bitcast_convert_type3A_446, %bitcast_convert_type3A_450 : vector<16xi1>, vector<16xf32>
        %mul3A_452 = arith.mulf %add3A_195, %select_n3A_451 : vector<16xf32>
        %add3A_453 = arith.addf %add3A_436, %mul3A_452 : vector<16xf32>
        %add3A_454 = arith.constant 4 : i32
        %add3A_455 = arith.addi %mul3A_76, %add3A_454 : i32
        %get3A_456 = arith.index_cast %add3A_455 : i32 to index
        %get3A_457 = arith.constant 48 : index
        %get3A_458 = tpu.vector_load %arg9[%get3A_456, %get3A_457] {strides = array<i32>} : memref<128x128xi32, #tpu.memory_space<vmem>>, vector<1x16xi32>,
        %get3A_459 = vector.shape_cast %get3A_458 : vector<1x16xi32> to vector<16xi32>
        %and3A_460 = arith.constant -65536 : i32
        %and3A_461 = vector.broadcast %and3A_460 : i32 to vector<16xi32>
        %and3A_462 = arith.andi %get3A_459, %and3A_461 : vector<16xi32>
        %bitcast_convert_type3A_463 = tpu.bitcast %and3A_462 : vector<16xi32> -> vector<16xf32>
        %shift_left3A_464 = arith.constant 16 : i32
        %shift_left3A_465 = vector.broadcast %shift_left3A_464 : i32 to vector<16xi32>
        %shift_left3A_466 = arith.shli %get3A_459, %shift_left3A_465 : vector<16xi32>
        %bitcast_convert_type3A_467 = tpu.bitcast %shift_left3A_466 : vector<16xi32> -> vector<16xf32>
        %select_n3A_468 = arith.select %ne3A_403, %bitcast_convert_type3A_463, %bitcast_convert_type3A_467 : vector<16xi1>, vector<16xf32>
        %mul3A_469 = arith.mulf %add3A_230, %select_n3A_468 : vector<16xf32>
        %add3A_470 = arith.addf %add3A_453, %mul3A_469 : vector<16xf32>
        %swap3A_471 = arith.index_cast %scan3A_74 : i32 to index
        %swap3A_472 = arith.constant 32 : index
        %swap3A_473 = tpu.vector_load %arg12[%swap3A_471, %swap3A_472] {strides = array<i32>} : memref<16x128xf32, #tpu.memory_space<vmem>>, vector<1x16xf32>,
        %swap3A_474 = vector.shape_cast %swap3A_473 : vector<1x16xf32> to vector<16xf32>
        %swap3A_475 = vector.shape_cast %add3A_470 : vector<16xf32> to vector<1x16xf32>
        tpu.vector_store %arg12[%swap3A_471, %swap3A_472], %swap3A_475 {strides = array<i32>} : memref<16x128xf32, #tpu.memory_space<vmem>>, vector<1x16xf32>,
        %mul3A_476 = arith.constant 16 : i32
        %mul3A_477 = arith.muli %mul3A_25, %mul3A_476 : i32
        %add3A_478 = arith.addi %mul3A_477, %scan3A_74 : i32
        %get3A_479 = arith.index_cast %add3A_478 : i32 to index
        %get3A_480 = arith.constant 80 : index
        %get3A_481 = tpu.vector_load %arg8[%get3A_479, %get3A_480] {strides = array<i32>} : memref<512x128xi32, #tpu.memory_space<vmem>>, vector<1x16xi32>,
        %get3A_482 = vector.shape_cast %get3A_481 : vector<1x16xi32> to vector<16xi32>
        %ne3A_483 = arith.constant 0 : i32
        %ne3A_484 = vector.broadcast %ne3A_483 : i32 to vector<16xi32>
        %ne3A_485 = arith.cmpi ne, %get3A_482, %ne3A_484 : vector<16xi32>
        %add3A_486 = arith.constant 5 : i32
        %add3A_487 = arith.addi %mul3A_76, %add3A_486 : i32
        %get3A_488 = arith.index_cast %add3A_487 : i32 to index
        %get3A_489 = arith.constant 0 : index
        %get3A_490 = tpu.vector_load %arg9[%get3A_488, %get3A_489] {strides = array<i32>} : memref<128x128xi32, #tpu.memory_space<vmem>>, vector<1x16xi32>,
        %get3A_491 = vector.shape_cast %get3A_490 : vector<1x16xi32> to vector<16xi32>
        %and3A_492 = arith.constant -65536 : i32
        %and3A_493 = vector.broadcast %and3A_492 : i32 to vector<16xi32>
        %and3A_494 = arith.andi %get3A_491, %and3A_493 : vector<16xi32>
        %bitcast_convert_type3A_495 = tpu.bitcast %and3A_494 : vector<16xi32> -> vector<16xf32>
        %shift_left3A_496 = arith.constant 16 : i32
        %shift_left3A_497 = vector.broadcast %shift_left3A_496 : i32 to vector<16xi32>
        %shift_left3A_498 = arith.shli %get3A_491, %shift_left3A_497 : vector<16xi32>
        %bitcast_convert_type3A_499 = tpu.bitcast %shift_left3A_498 : vector<16xi32> -> vector<16xf32>
        %select_n3A_500 = arith.select %ne3A_485, %bitcast_convert_type3A_495, %bitcast_convert_type3A_499 : vector<16xi1>, vector<16xf32>
        %mul3A_501 = arith.mulf %add3A_125, %select_n3A_500 : vector<16xf32>
        %add3A_502 = arith.constant 5 : i32
        %add3A_503 = arith.addi %mul3A_76, %add3A_502 : i32
        %get3A_504 = arith.index_cast %add3A_503 : i32 to index
        %get3A_505 = arith.constant 16 : index
        %get3A_506 = tpu.vector_load %arg9[%get3A_504, %get3A_505] {strides = array<i32>} : memref<128x128xi32, #tpu.memory_space<vmem>>, vector<1x16xi32>,
        %get3A_507 = vector.shape_cast %get3A_506 : vector<1x16xi32> to vector<16xi32>
        %and3A_508 = arith.constant -65536 : i32
        %and3A_509 = vector.broadcast %and3A_508 : i32 to vector<16xi32>
        %and3A_510 = arith.andi %get3A_507, %and3A_509 : vector<16xi32>
        %bitcast_convert_type3A_511 = tpu.bitcast %and3A_510 : vector<16xi32> -> vector<16xf32>
        %shift_left3A_512 = arith.constant 16 : i32
        %shift_left3A_513 = vector.broadcast %shift_left3A_512 : i32 to vector<16xi32>
        %shift_left3A_514 = arith.shli %get3A_507, %shift_left3A_513 : vector<16xi32>
        %bitcast_convert_type3A_515 = tpu.bitcast %shift_left3A_514 : vector<16xi32> -> vector<16xf32>
        %select_n3A_516 = arith.select %ne3A_485, %bitcast_convert_type3A_511, %bitcast_convert_type3A_515 : vector<16xi1>, vector<16xf32>
        %mul3A_517 = arith.mulf %add3A_160, %select_n3A_516 : vector<16xf32>
        %add3A_518 = arith.addf %mul3A_501, %mul3A_517 : vector<16xf32>
        %add3A_519 = arith.constant 5 : i32
        %add3A_520 = arith.addi %mul3A_76, %add3A_519 : i32
        %get3A_521 = arith.index_cast %add3A_520 : i32 to index
        %get3A_522 = arith.constant 32 : index
        %get3A_523 = tpu.vector_load %arg9[%get3A_521, %get3A_522] {strides = array<i32>} : memref<128x128xi32, #tpu.memory_space<vmem>>, vector<1x16xi32>,
        %get3A_524 = vector.shape_cast %get3A_523 : vector<1x16xi32> to vector<16xi32>
        %and3A_525 = arith.constant -65536 : i32
        %and3A_526 = vector.broadcast %and3A_525 : i32 to vector<16xi32>
        %and3A_527 = arith.andi %get3A_524, %and3A_526 : vector<16xi32>
        %bitcast_convert_type3A_528 = tpu.bitcast %and3A_527 : vector<16xi32> -> vector<16xf32>
        %shift_left3A_529 = arith.constant 16 : i32
        %shift_left3A_530 = vector.broadcast %shift_left3A_529 : i32 to vector<16xi32>
        %shift_left3A_531 = arith.shli %get3A_524, %shift_left3A_530 : vector<16xi32>
        %bitcast_convert_type3A_532 = tpu.bitcast %shift_left3A_531 : vector<16xi32> -> vector<16xf32>
        %select_n3A_533 = arith.select %ne3A_485, %bitcast_convert_type3A_528, %bitcast_convert_type3A_532 : vector<16xi1>, vector<16xf32>
        %mul3A_534 = arith.mulf %add3A_195, %select_n3A_533 : vector<16xf32>
        %add3A_535 = arith.addf %add3A_518, %mul3A_534 : vector<16xf32>
        %add3A_536 = arith.constant 5 : i32
        %add3A_537 = arith.addi %mul3A_76, %add3A_536 : i32
        %get3A_538 = arith.index_cast %add3A_537 : i32 to index
        %get3A_539 = arith.constant 48 : index
        %get3A_540 = tpu.vector_load %arg9[%get3A_538, %get3A_539] {strides = array<i32>} : memref<128x128xi32, #tpu.memory_space<vmem>>, vector<1x16xi32>,
        %get3A_541 = vector.shape_cast %get3A_540 : vector<1x16xi32> to vector<16xi32>
        %and3A_542 = arith.constant -65536 : i32
        %and3A_543 = vector.broadcast %and3A_542 : i32 to vector<16xi32>
        %and3A_544 = arith.andi %get3A_541, %and3A_543 : vector<16xi32>
        %bitcast_convert_type3A_545 = tpu.bitcast %and3A_544 : vector<16xi32> -> vector<16xf32>
        %shift_left3A_546 = arith.constant 16 : i32
        %shift_left3A_547 = vector.broadcast %shift_left3A_546 : i32 to vector<16xi32>
        %shift_left3A_548 = arith.shli %get3A_541, %shift_left3A_547 : vector<16xi32>
        %bitcast_convert_type3A_549 = tpu.bitcast %shift_left3A_548 : vector<16xi32> -> vector<16xf32>
        %select_n3A_550 = arith.select %ne3A_485, %bitcast_convert_type3A_545, %bitcast_convert_type3A_549 : vector<16xi1>, vector<16xf32>
        %mul3A_551 = arith.mulf %add3A_230, %select_n3A_550 : vector<16xf32>
        %add3A_552 = arith.addf %add3A_535, %mul3A_551 : vector<16xf32>
        %swap3A_553 = arith.index_cast %scan3A_74 : i32 to index
        %swap3A_554 = arith.constant 48 : index
        %swap3A_555 = tpu.vector_load %arg12[%swap3A_553, %swap3A_554] {strides = array<i32>} : memref<16x128xf32, #tpu.memory_space<vmem>>, vector<1x16xf32>,
        %swap3A_556 = vector.shape_cast %swap3A_555 : vector<1x16xf32> to vector<16xf32>
        %swap3A_557 = vector.shape_cast %add3A_552 : vector<16xf32> to vector<1x16xf32>
        tpu.vector_store %arg12[%swap3A_553, %swap3A_554], %swap3A_557 {strides = array<i32>} : memref<16x128xf32, #tpu.memory_space<vmem>>, vector<1x16xf32>,
        %mul3A_558 = arith.constant 16 : i32
        %mul3A_559 = arith.muli %mul3A_25, %mul3A_558 : i32
        %add3A_560 = arith.addi %mul3A_559, %scan3A_74 : i32
        %get3A_561 = arith.index_cast %add3A_560 : i32 to index
        %get3A_562 = arith.constant 96 : index
        %get3A_563 = tpu.vector_load %arg8[%get3A_561, %get3A_562] {strides = array<i32>} : memref<512x128xi32, #tpu.memory_space<vmem>>, vector<1x16xi32>,
        %get3A_564 = vector.shape_cast %get3A_563 : vector<1x16xi32> to vector<16xi32>
        %ne3A_565 = arith.constant 0 : i32
        %ne3A_566 = vector.broadcast %ne3A_565 : i32 to vector<16xi32>
        %ne3A_567 = arith.cmpi ne, %get3A_564, %ne3A_566 : vector<16xi32>
        %add3A_568 = arith.constant 6 : i32
        %add3A_569 = arith.addi %mul3A_76, %add3A_568 : i32
        %get3A_570 = arith.index_cast %add3A_569 : i32 to index
        %get3A_571 = arith.constant 0 : index
        %get3A_572 = tpu.vector_load %arg9[%get3A_570, %get3A_571] {strides = array<i32>} : memref<128x128xi32, #tpu.memory_space<vmem>>, vector<1x16xi32>,
        %get3A_573 = vector.shape_cast %get3A_572 : vector<1x16xi32> to vector<16xi32>
        %and3A_574 = arith.constant -65536 : i32
        %and3A_575 = vector.broadcast %and3A_574 : i32 to vector<16xi32>
        %and3A_576 = arith.andi %get3A_573, %and3A_575 : vector<16xi32>
        %bitcast_convert_type3A_577 = tpu.bitcast %and3A_576 : vector<16xi32> -> vector<16xf32>
        %shift_left3A_578 = arith.constant 16 : i32
        %shift_left3A_579 = vector.broadcast %shift_left3A_578 : i32 to vector<16xi32>
        %shift_left3A_580 = arith.shli %get3A_573, %shift_left3A_579 : vector<16xi32>
        %bitcast_convert_type3A_581 = tpu.bitcast %shift_left3A_580 : vector<16xi32> -> vector<16xf32>
        %select_n3A_582 = arith.select %ne3A_567, %bitcast_convert_type3A_577, %bitcast_convert_type3A_581 : vector<16xi1>, vector<16xf32>
        %mul3A_583 = arith.mulf %add3A_125, %select_n3A_582 : vector<16xf32>
        %add3A_584 = arith.constant 6 : i32
        %add3A_585 = arith.addi %mul3A_76, %add3A_584 : i32
        %get3A_586 = arith.index_cast %add3A_585 : i32 to index
        %get3A_587 = arith.constant 16 : index
        %get3A_588 = tpu.vector_load %arg9[%get3A_586, %get3A_587] {strides = array<i32>} : memref<128x128xi32, #tpu.memory_space<vmem>>, vector<1x16xi32>,
        %get3A_589 = vector.shape_cast %get3A_588 : vector<1x16xi32> to vector<16xi32>
        %and3A_590 = arith.constant -65536 : i32
        %and3A_591 = vector.broadcast %and3A_590 : i32 to vector<16xi32>
        %and3A_592 = arith.andi %get3A_589, %and3A_591 : vector<16xi32>
        %bitcast_convert_type3A_593 = tpu.bitcast %and3A_592 : vector<16xi32> -> vector<16xf32>
        %shift_left3A_594 = arith.constant 16 : i32
        %shift_left3A_595 = vector.broadcast %shift_left3A_594 : i32 to vector<16xi32>
        %shift_left3A_596 = arith.shli %get3A_589, %shift_left3A_595 : vector<16xi32>
        %bitcast_convert_type3A_597 = tpu.bitcast %shift_left3A_596 : vector<16xi32> -> vector<16xf32>
        %select_n3A_598 = arith.select %ne3A_567, %bitcast_convert_type3A_593, %bitcast_convert_type3A_597 : vector<16xi1>, vector<16xf32>
        %mul3A_599 = arith.mulf %add3A_160, %select_n3A_598 : vector<16xf32>
        %add3A_600 = arith.addf %mul3A_583, %mul3A_599 : vector<16xf32>
        %add3A_601 = arith.constant 6 : i32
        %add3A_602 = arith.addi %mul3A_76, %add3A_601 : i32
        %get3A_603 = arith.index_cast %add3A_602 : i32 to index
        %get3A_604 = arith.constant 32 : index
        %get3A_605 = tpu.vector_load %arg9[%get3A_603, %get3A_604] {strides = array<i32>} : memref<128x128xi32, #tpu.memory_space<vmem>>, vector<1x16xi32>,
        %get3A_606 = vector.shape_cast %get3A_605 : vector<1x16xi32> to vector<16xi32>
        %and3A_607 = arith.constant -65536 : i32
        %and3A_608 = vector.broadcast %and3A_607 : i32 to vector<16xi32>
        %and3A_609 = arith.andi %get3A_606, %and3A_608 : vector<16xi32>
        %bitcast_convert_type3A_610 = tpu.bitcast %and3A_609 : vector<16xi32> -> vector<16xf32>
        %shift_left3A_611 = arith.constant 16 : i32
        %shift_left3A_612 = vector.broadcast %shift_left3A_611 : i32 to vector<16xi32>
        %shift_left3A_613 = arith.shli %get3A_606, %shift_left3A_612 : vector<16xi32>
        %bitcast_convert_type3A_614 = tpu.bitcast %shift_left3A_613 : vector<16xi32> -> vector<16xf32>
        %select_n3A_615 = arith.select %ne3A_567, %bitcast_convert_type3A_610, %bitcast_convert_type3A_614 : vector<16xi1>, vector<16xf32>
        %mul3A_616 = arith.mulf %add3A_195, %select_n3A_615 : vector<16xf32>
        %add3A_617 = arith.addf %add3A_600, %mul3A_616 : vector<16xf32>
        %add3A_618 = arith.constant 6 : i32
        %add3A_619 = arith.addi %mul3A_76, %add3A_618 : i32
        %get3A_620 = arith.index_cast %add3A_619 : i32 to index
        %get3A_621 = arith.constant 48 : index
        %get3A_622 = tpu.vector_load %arg9[%get3A_620, %get3A_621] {strides = array<i32>} : memref<128x128xi32, #tpu.memory_space<vmem>>, vector<1x16xi32>,
        %get3A_623 = vector.shape_cast %get3A_622 : vector<1x16xi32> to vector<16xi32>
        %and3A_624 = arith.constant -65536 : i32
        %and3A_625 = vector.broadcast %and3A_624 : i32 to vector<16xi32>
        %and3A_626 = arith.andi %get3A_623, %and3A_625 : vector<16xi32>
        %bitcast_convert_type3A_627 = tpu.bitcast %and3A_626 : vector<16xi32> -> vector<16xf32>
        %shift_left3A_628 = arith.constant 16 : i32
        %shift_left3A_629 = vector.broadcast %shift_left3A_628 : i32 to vector<16xi32>
        %shift_left3A_630 = arith.shli %get3A_623, %shift_left3A_629 : vector<16xi32>
        %bitcast_convert_type3A_631 = tpu.bitcast %shift_left3A_630 : vector<16xi32> -> vector<16xf32>
        %select_n3A_632 = arith.select %ne3A_567, %bitcast_convert_type3A_627, %bitcast_convert_type3A_631 : vector<16xi1>, vector<16xf32>
        %mul3A_633 = arith.mulf %add3A_230, %select_n3A_632 : vector<16xf32>
        %add3A_634 = arith.addf %add3A_617, %mul3A_633 : vector<16xf32>
        %swap3A_635 = arith.index_cast %scan3A_74 : i32 to index
        %swap3A_636 = arith.constant 64 : index
        %swap3A_637 = tpu.vector_load %arg12[%swap3A_635, %swap3A_636] {strides = array<i32>} : memref<16x128xf32, #tpu.memory_space<vmem>>, vector<1x16xf32>,
        %swap3A_638 = vector.shape_cast %swap3A_637 : vector<1x16xf32> to vector<16xf32>
        %swap3A_639 = vector.shape_cast %add3A_634 : vector<16xf32> to vector<1x16xf32>
        tpu.vector_store %arg12[%swap3A_635, %swap3A_636], %swap3A_639 {strides = array<i32>} : memref<16x128xf32, #tpu.memory_space<vmem>>, vector<1x16xf32>,
        %mul3A_640 = arith.constant 16 : i32
        %mul3A_641 = arith.muli %mul3A_25, %mul3A_640 : i32
        %add3A_642 = arith.addi %mul3A_641, %scan3A_74 : i32
        %get3A_643 = arith.index_cast %add3A_642 : i32 to index
        %get3A_644 = arith.constant 112 : index
        %get3A_645 = tpu.vector_load %arg8[%get3A_643, %get3A_644] {strides = array<i32>} : memref<512x128xi32, #tpu.memory_space<vmem>>, vector<1x16xi32>,
        %get3A_646 = vector.shape_cast %get3A_645 : vector<1x16xi32> to vector<16xi32>
        %ne3A_647 = arith.constant 0 : i32
        %ne3A_648 = vector.broadcast %ne3A_647 : i32 to vector<16xi32>
        %ne3A_649 = arith.cmpi ne, %get3A_646, %ne3A_648 : vector<16xi32>
        %add3A_650 = arith.constant 7 : i32
        %add3A_651 = arith.addi %mul3A_76, %add3A_650 : i32
        %get3A_652 = arith.index_cast %add3A_651 : i32 to index
        %get3A_653 = arith.constant 0 : index
        %get3A_654 = tpu.vector_load %arg9[%get3A_652, %get3A_653] {strides = array<i32>} : memref<128x128xi32, #tpu.memory_space<vmem>>, vector<1x16xi32>,
        %get3A_655 = vector.shape_cast %get3A_654 : vector<1x16xi32> to vector<16xi32>
        %and3A_656 = arith.constant -65536 : i32
        %and3A_657 = vector.broadcast %and3A_656 : i32 to vector<16xi32>
        %and3A_658 = arith.andi %get3A_655, %and3A_657 : vector<16xi32>
        %bitcast_convert_type3A_659 = tpu.bitcast %and3A_658 : vector<16xi32> -> vector<16xf32>
        %shift_left3A_660 = arith.constant 16 : i32
        %shift_left3A_661 = vector.broadcast %shift_left3A_660 : i32 to vector<16xi32>
        %shift_left3A_662 = arith.shli %get3A_655, %shift_left3A_661 : vector<16xi32>
        %bitcast_convert_type3A_663 = tpu.bitcast %shift_left3A_662 : vector<16xi32> -> vector<16xf32>
        %select_n3A_664 = arith.select %ne3A_649, %bitcast_convert_type3A_659, %bitcast_convert_type3A_663 : vector<16xi1>, vector<16xf32>
        %mul3A_665 = arith.mulf %add3A_125, %select_n3A_664 : vector<16xf32>
        %add3A_666 = arith.constant 7 : i32
        %add3A_667 = arith.addi %mul3A_76, %add3A_666 : i32
        %get3A_668 = arith.index_cast %add3A_667 : i32 to index
        %get3A_669 = arith.constant 16 : index
        %get3A_670 = tpu.vector_load %arg9[%get3A_668, %get3A_669] {strides = array<i32>} : memref<128x128xi32, #tpu.memory_space<vmem>>, vector<1x16xi32>,
        %get3A_671 = vector.shape_cast %get3A_670 : vector<1x16xi32> to vector<16xi32>
        %and3A_672 = arith.constant -65536 : i32
        %and3A_673 = vector.broadcast %and3A_672 : i32 to vector<16xi32>
        %and3A_674 = arith.andi %get3A_671, %and3A_673 : vector<16xi32>
        %bitcast_convert_type3A_675 = tpu.bitcast %and3A_674 : vector<16xi32> -> vector<16xf32>
        %shift_left3A_676 = arith.constant 16 : i32
        %shift_left3A_677 = vector.broadcast %shift_left3A_676 : i32 to vector<16xi32>
        %shift_left3A_678 = arith.shli %get3A_671, %shift_left3A_677 : vector<16xi32>
        %bitcast_convert_type3A_679 = tpu.bitcast %shift_left3A_678 : vector<16xi32> -> vector<16xf32>
        %select_n3A_680 = arith.select %ne3A_649, %bitcast_convert_type3A_675, %bitcast_convert_type3A_679 : vector<16xi1>, vector<16xf32>
        %mul3A_681 = arith.mulf %add3A_160, %select_n3A_680 : vector<16xf32>
        %add3A_682 = arith.addf %mul3A_665, %mul3A_681 : vector<16xf32>
        %add3A_683 = arith.constant 7 : i32
        %add3A_684 = arith.addi %mul3A_76, %add3A_683 : i32
        %get3A_685 = arith.index_cast %add3A_684 : i32 to index
        %get3A_686 = arith.constant 32 : index
        %get3A_687 = tpu.vector_load %arg9[%get3A_685, %get3A_686] {strides = array<i32>} : memref<128x128xi32, #tpu.memory_space<vmem>>, vector<1x16xi32>,
        %get3A_688 = vector.shape_cast %get3A_687 : vector<1x16xi32> to vector<16xi32>
        %and3A_689 = arith.constant -65536 : i32
        %and3A_690 = vector.broadcast %and3A_689 : i32 to vector<16xi32>
        %and3A_691 = arith.andi %get3A_688, %and3A_690 : vector<16xi32>
        %bitcast_convert_type3A_692 = tpu.bitcast %and3A_691 : vector<16xi32> -> vector<16xf32>
        %shift_left3A_693 = arith.constant 16 : i32
        %shift_left3A_694 = vector.broadcast %shift_left3A_693 : i32 to vector<16xi32>
        %shift_left3A_695 = arith.shli %get3A_688, %shift_left3A_694 : vector<16xi32>
        %bitcast_convert_type3A_696 = tpu.bitcast %shift_left3A_695 : vector<16xi32> -> vector<16xf32>
        %select_n3A_697 = arith.select %ne3A_649, %bitcast_convert_type3A_692, %bitcast_convert_type3A_696 : vector<16xi1>, vector<16xf32>
        %mul3A_698 = arith.mulf %add3A_195, %select_n3A_697 : vector<16xf32>
        %add3A_699 = arith.addf %add3A_682, %mul3A_698 : vector<16xf32>
        %add3A_700 = arith.constant 7 : i32
        %add3A_701 = arith.addi %mul3A_76, %add3A_700 : i32
        %get3A_702 = arith.index_cast %add3A_701 : i32 to index
        %get3A_703 = arith.constant 48 : index
        %get3A_704 = tpu.vector_load %arg9[%get3A_702, %get3A_703] {strides = array<i32>} : memref<128x128xi32, #tpu.memory_space<vmem>>, vector<1x16xi32>,
        %get3A_705 = vector.shape_cast %get3A_704 : vector<1x16xi32> to vector<16xi32>
        %and3A_706 = arith.constant -65536 : i32
        %and3A_707 = vector.broadcast %and3A_706 : i32 to vector<16xi32>
        %and3A_708 = arith.andi %get3A_705, %and3A_707 : vector<16xi32>
        %bitcast_convert_type3A_709 = tpu.bitcast %and3A_708 : vector<16xi32> -> vector<16xf32>
        %shift_left3A_710 = arith.constant 16 : i32
        %shift_left3A_711 = vector.broadcast %shift_left3A_710 : i32 to vector<16xi32>
        %shift_left3A_712 = arith.shli %get3A_705, %shift_left3A_711 : vector<16xi32>
        %bitcast_convert_type3A_713 = tpu.bitcast %shift_left3A_712 : vector<16xi32> -> vector<16xf32>
        %select_n3A_714 = arith.select %ne3A_649, %bitcast_convert_type3A_709, %bitcast_convert_type3A_713 : vector<16xi1>, vector<16xf32>
        %mul3A_715 = arith.mulf %add3A_230, %select_n3A_714 : vector<16xf32>
        %add3A_716 = arith.addf %add3A_699, %mul3A_715 : vector<16xf32>
        %swap3A_717 = arith.index_cast %scan3A_74 : i32 to index
        %swap3A_718 = arith.constant 80 : index
        %swap3A_719 = tpu.vector_load %arg12[%swap3A_717, %swap3A_718] {strides = array<i32>} : memref<16x128xf32, #tpu.memory_space<vmem>>, vector<1x16xf32>,
        %swap3A_720 = vector.shape_cast %swap3A_719 : vector<1x16xf32> to vector<16xf32>
        %swap3A_721 = vector.shape_cast %add3A_716 : vector<16xf32> to vector<1x16xf32>
        tpu.vector_store %arg12[%swap3A_717, %swap3A_718], %swap3A_721 {strides = array<i32>} : memref<16x128xf32, #tpu.memory_space<vmem>>, vector<1x16xf32>,
        %broadcast_in_dim3A = arith.constant 0.000000e+00 : f32
        %broadcast_in_dim3A_722 = vector.broadcast %broadcast_in_dim3A : f32 to vector<16xf32>
        %swap3A_723 = arith.index_cast %scan3A_74 : i32 to index
        %swap3A_724 = arith.constant 96 : index
        %swap3A_725 = tpu.vector_load %arg12[%swap3A_723, %swap3A_724] {strides = array<i32>} : memref<16x128xf32, #tpu.memory_space<vmem>>, vector<1x16xf32>,
        %swap3A_726 = vector.shape_cast %swap3A_725 : vector<1x16xf32> to vector<16xf32>
        %swap3A_727 = vector.shape_cast %broadcast_in_dim3A_722 : vector<16xf32> to vector<1x16xf32>
        tpu.vector_store %arg12[%swap3A_723, %swap3A_724], %swap3A_727 {strides = array<i32>} : memref<16x128xf32, #tpu.memory_space<vmem>>, vector<1x16xf32>,
        %swap3A_728 = arith.index_cast %scan3A_74 : i32 to index
        %swap3A_729 = arith.constant 112 : index
        %swap3A_730 = tpu.vector_load %arg12[%swap3A_728, %swap3A_729] {strides = array<i32>} : memref<16x128xf32, #tpu.memory_space<vmem>>, vector<1x16xf32>,
        %swap3A_731 = vector.shape_cast %swap3A_730 : vector<1x16xf32> to vector<16xf32>
        %swap3A_732 = vector.shape_cast %broadcast_in_dim3A_722 : vector<16xf32> to vector<1x16xf32>
        tpu.vector_store %arg12[%swap3A_728, %swap3A_729], %swap3A_732 {strides = array<i32>} : memref<16x128xf32, #tpu.memory_space<vmem>>, vector<1x16xf32>,
      }
      %scan3A_36 = arith.constant 16 : i32
      %mul3A_37 = arith.constant 512 : i32
      %mul3A_38 = arith.muli %add3A, %mul3A_37 : i32
      %mul3A_39 = arith.constant 16 : i32
      %mul3A_40 = arith.muli %mul3A_25, %mul3A_39 : i32
      %add3A_41 = arith.addi %mul3A_38, %mul3A_40 : i32
      "tpu.region"() ({
        %run_scoped3A = tpu.sem_alloc : memref<!tpu.dma_semaphore, #tpu.memory_space<semaphore_mem>>
        %dma_start3A_74 = arith.constant 0 : i32
        %dma_start3A_75 = tpu.memref_slice %arg6[%add3A_41, %dma_start3A_74] : memref<16384x128xf32, #tpu.memory_space<hbm>> -> memref<16x128xf32, #tpu.memory_space<hbm>>
        %dma_start3A_76 = arith.constant 0 : i32
        %dma_start3A_77 = tpu.memref_slice %arg6[%add3A_41, %dma_start3A_76] : memref<16384x128xf32, #tpu.memory_space<hbm>> -> memref<16x128xf32, #tpu.memory_space<hbm>>
        tpu.enqueue_dma source(%arg12 : memref<16x128xf32, #tpu.memory_space<vmem>>) target(%dma_start3A_77 : memref<16x128xf32, #tpu.memory_space<hbm>>) target_semaphore(%run_scoped3A : memref<!tpu.dma_semaphore, #tpu.memory_space<semaphore_mem>>)
        %dma_wait3A_78 = arith.constant 0 : i32
        %dma_wait3A_79 = tpu.memref_slice %arg6[%add3A_41, %dma_wait3A_78] : memref<16384x128xf32, #tpu.memory_space<hbm>> -> memref<16x128xf32, #tpu.memory_space<hbm>>
        %dma_wait3A_80 = arith.constant 0 : i32
        %dma_wait3A_81 = tpu.memref_slice %arg6[%add3A_41, %dma_wait3A_80] : memref<16384x128xf32, #tpu.memory_space<hbm>> -> memref<16x128xf32, #tpu.memory_space<hbm>>
        tpu.wait_dma2 semaphore(%run_scoped3A : memref<!tpu.dma_semaphore, #tpu.memory_space<semaphore_mem>>) src(%arg12 : memref<16x128xf32, #tpu.memory_space<vmem>>) dst(%dma_wait3A_81 : memref<16x128xf32, #tpu.memory_space<hbm>>)
        tpu.yield
      }) : () -> ()
      %add3A_42 = arith.constant 2 : i32
      %add3A_43 = arith.addi %mul3A_25, %add3A_42 : i32
      %lt3A = arith.constant 32 : i32
      %lt3A_44 = arith.cmpi slt, %add3A_43, %lt3A : i32
      %convert_element_type3A = arith.extui %lt3A_44 : i1 to i32
      %cond3A = arith.constant 0 : i32
      %cond3A_45 = arith.cmpi ne, %convert_element_type3A, %cond3A : i32
      scf.if %cond3A_45 {
        %add3A_74 = arith.constant 2 : i32
        %add3A_75 = arith.addi %mul3A_25, %add3A_74 : i32
        %dma_start3A_76 = arith.constant 0 : i32
        %dma_start3A_77 = tpu.memref_slice %arg7[%add3A_75, %dma_start3A_76] : memref<32x128xi32, #tpu.memory_space<vmem>> -> memref<1x128xi32, #tpu.memory_space<vmem>>
        %dma_start3A_78 = tpu.memref_squeeze %dma_start3A_77 : memref<1x128xi32, #tpu.memory_space<vmem>> -> memref<128xi32, #tpu.memory_space<vmem>>
        %dma_start3A_79 = arith.constant 0 : i32
        %dma_start3A_80 = arith.constant 0 : i32
        %dma_start3A_81 = tpu.memref_slice %arg2[%dma_start3A_79, %dma_start3A_80] : memref<500000x128xi32, #tpu.memory_space<hbm>> -> memref<500000x128xi32, #tpu.memory_space<hbm>>
        tpu.enqueue_indirect_dma source(%dma_start3A_81 : memref<500000x128xi32, #tpu.memory_space<hbm>>) target(%arg9 : memref<128x128xi32, #tpu.memory_space<vmem>>) offsets(%dma_start3A_78 : memref<128xi32, #tpu.memory_space<vmem>>) semaphore(%arg13 : memref<!tpu.dma_semaphore, #tpu.memory_space<semaphore_mem>>)
      } else {
      }
      %dma_wait3A_46 = arith.constant 0 : i32
      %dma_wait3A_47 = arith.constant 0 : i32
      %dma_wait3A_48 = tpu.memref_slice %arg2[%dma_wait3A_46, %dma_wait3A_47] : memref<500000x128xi32, #tpu.memory_space<hbm>> -> memref<128x128xi32, #tpu.memory_space<hbm>>
      %dma_wait3A_49 = arith.constant 0 : i32
      %dma_wait3A_50 = arith.constant 0 : i32
      %dma_wait3A_51 = tpu.memref_slice %arg2[%dma_wait3A_49, %dma_wait3A_50] : memref<500000x128xi32, #tpu.memory_space<hbm>> -> memref<128x128xi32, #tpu.memory_space<hbm>>
      tpu.wait_dma2 semaphore(%arg14 : memref<!tpu.dma_semaphore, #tpu.memory_space<semaphore_mem>>) src(%dma_wait3A_51 : memref<128x128xi32, #tpu.memory_space<hbm>>) dst(%arg10 : memref<128x128xi32, #tpu.memory_space<vmem>>)
      %add3A_52 = arith.constant 1 : i32
      %add3A_53 = arith.addi %mul3A_25, %add3A_52 : i32
      %scan3A_54 = arith.constant 0 : i32
      %scan3A_55 = arith.constant 0 : i32
      %scan3A_56 = arith.constant 16 : i32
      %scan3A_57 = arith.addi %scan3A_55, %scan3A_56 : i32
      %scan3A_58 = arith.constant 1 : i32
      scf.for %scan3A_74 = %scan3A_55 to %scan3A_57 step %scan3A_58  : i32 {
        %mul3A_75 = arith.constant 8 : i32
        %mul3A_76 = arith.muli %scan3A_74, %mul3A_75 : i32
        %mul3A_77 = arith.constant 16 : i32
        %mul3A_78 = arith.muli %add3A_53, %mul3A_77 : i32
        %add3A_79 = arith.addi %mul3A_78, %scan3A_74 : i32
        %get3A = arith.index_cast %add3A_79 : i32 to index
        %get3A_80 = arith.constant 0 : index
        %get3A_81 = tpu.vector_load %arg8[%get3A, %get3A_80] {strides = array<i32>} : memref<512x128xi32, #tpu.memory_space<vmem>>, vector<1x16xi32>,
        %get3A_82 = vector.shape_cast %get3A_81 : vector<1x16xi32> to vector<16xi32>
        %ne3A = arith.constant 0 : i32
        %ne3A_83 = vector.broadcast %ne3A : i32 to vector<16xi32>
        %ne3A_84 = arith.cmpi ne, %get3A_82, %ne3A_83 : vector<16xi32>
        %mul3A_85 = arith.constant 16 : i32
        %mul3A_86 = arith.muli %add3A_53, %mul3A_85 : i32
        %add3A_87 = arith.addi %mul3A_86, %scan3A_74 : i32
        %get3A_88 = arith.index_cast %add3A_87 : i32 to index
        %get3A_89 = arith.constant 16 : index
        %get3A_90 = tpu.vector_load %arg8[%get3A_88, %get3A_89] {strides = array<i32>} : memref<512x128xi32, #tpu.memory_space<vmem>>, vector<1x16xi32>,
        %get3A_91 = vector.shape_cast %get3A_90 : vector<1x16xi32> to vector<16xi32>
        %ne3A_92 = arith.constant 0 : i32
        %ne3A_93 = vector.broadcast %ne3A_92 : i32 to vector<16xi32>
        %ne3A_94 = arith.cmpi ne, %get3A_91, %ne3A_93 : vector<16xi32>
        %add3A_95 = arith.constant 0 : i32
        %add3A_96 = arith.addi %mul3A_76, %add3A_95 : i32
        %get3A_97 = arith.index_cast %add3A_96 : i32 to index
        %get3A_98 = arith.constant 64 : index
        %get3A_99 = tpu.vector_load %arg10[%get3A_97, %get3A_98] {strides = array<i32>} : memref<128x128xi32, #tpu.memory_space<vmem>>, vector<1x16xi32>,
        %get3A_100 = vector.shape_cast %get3A_99 : vector<1x16xi32> to vector<16xi32>
        %and3A = arith.constant -65536 : i32
        %and3A_101 = vector.broadcast %and3A : i32 to vector<16xi32>
        %and3A_102 = arith.andi %get3A_100, %and3A_101 : vector<16xi32>
        %bitcast_convert_type3A = tpu.bitcast %and3A_102 : vector<16xi32> -> vector<16xf32>
        %shift_left3A = arith.constant 16 : i32
        %shift_left3A_103 = vector.broadcast %shift_left3A : i32 to vector<16xi32>
        %shift_left3A_104 = arith.shli %get3A_100, %shift_left3A_103 : vector<16xi32>
        %bitcast_convert_type3A_105 = tpu.bitcast %shift_left3A_104 : vector<16xi32> -> vector<16xf32>
        %select_n3A = arith.select %ne3A_84, %bitcast_convert_type3A, %bitcast_convert_type3A_105 : vector<16xi1>, vector<16xf32>
        %add3A_106 = arith.constant 1 : i32
        %add3A_107 = arith.addi %mul3A_76, %add3A_106 : i32
        %get3A_108 = arith.index_cast %add3A_107 : i32 to index
        %get3A_109 = arith.constant 64 : index
        %get3A_110 = tpu.vector_load %arg10[%get3A_108, %get3A_109] {strides = array<i32>} : memref<128x128xi32, #tpu.memory_space<vmem>>, vector<1x16xi32>,
        %get3A_111 = vector.shape_cast %get3A_110 : vector<1x16xi32> to vector<16xi32>
        %and3A_112 = arith.constant -65536 : i32
        %and3A_113 = vector.broadcast %and3A_112 : i32 to vector<16xi32>
        %and3A_114 = arith.andi %get3A_111, %and3A_113 : vector<16xi32>
        %bitcast_convert_type3A_115 = tpu.bitcast %and3A_114 : vector<16xi32> -> vector<16xf32>
        %shift_left3A_116 = arith.constant 16 : i32
        %shift_left3A_117 = vector.broadcast %shift_left3A_116 : i32 to vector<16xi32>
        %shift_left3A_118 = arith.shli %get3A_111, %shift_left3A_117 : vector<16xi32>
        %bitcast_convert_type3A_119 = tpu.bitcast %shift_left3A_118 : vector<16xi32> -> vector<16xf32>
        %select_n3A_120 = arith.select %ne3A_94, %bitcast_convert_type3A_115, %bitcast_convert_type3A_119 : vector<16xi1>, vector<16xf32>
        %add3A_121 = arith.addf %select_n3A, %select_n3A_120 : vector<16xf32>
        %get3A_122 = arith.constant 0 : index
        %get3A_123 = tpu.vector_load %arg11[%get3A_122] {strides = array<i32>} : memref<64xf32, #tpu.memory_space<vmem>>, vector<16xf32>,
        %get3A_124 = vector.shape_cast %get3A_123 : vector<16xf32> to vector<16xf32>
        %add3A_125 = arith.addf %add3A_121, %get3A_124 : vector<16xf32>
        %add3A_126 = arith.constant 0 : i32
        %add3A_127 = arith.addi %mul3A_76, %add3A_126 : i32
        %get3A_128 = arith.index_cast %add3A_127 : i32 to index
        %get3A_129 = arith.constant 80 : index
        %get3A_130 = tpu.vector_load %arg10[%get3A_128, %get3A_129] {strides = array<i32>} : memref<128x128xi32, #tpu.memory_space<vmem>>, vector<1x16xi32>,
        %get3A_131 = vector.shape_cast %get3A_130 : vector<1x16xi32> to vector<16xi32>
        %and3A_132 = arith.constant -65536 : i32
        %and3A_133 = vector.broadcast %and3A_132 : i32 to vector<16xi32>
        %and3A_134 = arith.andi %get3A_131, %and3A_133 : vector<16xi32>
        %bitcast_convert_type3A_135 = tpu.bitcast %and3A_134 : vector<16xi32> -> vector<16xf32>
        %shift_left3A_136 = arith.constant 16 : i32
        %shift_left3A_137 = vector.broadcast %shift_left3A_136 : i32 to vector<16xi32>
        %shift_left3A_138 = arith.shli %get3A_131, %shift_left3A_137 : vector<16xi32>
        %bitcast_convert_type3A_139 = tpu.bitcast %shift_left3A_138 : vector<16xi32> -> vector<16xf32>
        %select_n3A_140 = arith.select %ne3A_84, %bitcast_convert_type3A_135, %bitcast_convert_type3A_139 : vector<16xi1>, vector<16xf32>
        %add3A_141 = arith.constant 1 : i32
        %add3A_142 = arith.addi %mul3A_76, %add3A_141 : i32
        %get3A_143 = arith.index_cast %add3A_142 : i32 to index
        %get3A_144 = arith.constant 80 : index
        %get3A_145 = tpu.vector_load %arg10[%get3A_143, %get3A_144] {strides = array<i32>} : memref<128x128xi32, #tpu.memory_space<vmem>>, vector<1x16xi32>,
        %get3A_146 = vector.shape_cast %get3A_145 : vector<1x16xi32> to vector<16xi32>
        %and3A_147 = arith.constant -65536 : i32
        %and3A_148 = vector.broadcast %and3A_147 : i32 to vector<16xi32>
        %and3A_149 = arith.andi %get3A_146, %and3A_148 : vector<16xi32>
        %bitcast_convert_type3A_150 = tpu.bitcast %and3A_149 : vector<16xi32> -> vector<16xf32>
        %shift_left3A_151 = arith.constant 16 : i32
        %shift_left3A_152 = vector.broadcast %shift_left3A_151 : i32 to vector<16xi32>
        %shift_left3A_153 = arith.shli %get3A_146, %shift_left3A_152 : vector<16xi32>
        %bitcast_convert_type3A_154 = tpu.bitcast %shift_left3A_153 : vector<16xi32> -> vector<16xf32>
        %select_n3A_155 = arith.select %ne3A_94, %bitcast_convert_type3A_150, %bitcast_convert_type3A_154 : vector<16xi1>, vector<16xf32>
        %add3A_156 = arith.addf %select_n3A_140, %select_n3A_155 : vector<16xf32>
        %get3A_157 = arith.constant 16 : index
        %get3A_158 = tpu.vector_load %arg11[%get3A_157] {strides = array<i32>} : memref<64xf32, #tpu.memory_space<vmem>>, vector<16xf32>,
        %get3A_159 = vector.shape_cast %get3A_158 : vector<16xf32> to vector<16xf32>
        %add3A_160 = arith.addf %add3A_156, %get3A_159 : vector<16xf32>
        %add3A_161 = arith.constant 0 : i32
        %add3A_162 = arith.addi %mul3A_76, %add3A_161 : i32
        %get3A_163 = arith.index_cast %add3A_162 : i32 to index
        %get3A_164 = arith.constant 96 : index
        %get3A_165 = tpu.vector_load %arg10[%get3A_163, %get3A_164] {strides = array<i32>} : memref<128x128xi32, #tpu.memory_space<vmem>>, vector<1x16xi32>,
        %get3A_166 = vector.shape_cast %get3A_165 : vector<1x16xi32> to vector<16xi32>
        %and3A_167 = arith.constant -65536 : i32
        %and3A_168 = vector.broadcast %and3A_167 : i32 to vector<16xi32>
        %and3A_169 = arith.andi %get3A_166, %and3A_168 : vector<16xi32>
        %bitcast_convert_type3A_170 = tpu.bitcast %and3A_169 : vector<16xi32> -> vector<16xf32>
        %shift_left3A_171 = arith.constant 16 : i32
        %shift_left3A_172 = vector.broadcast %shift_left3A_171 : i32 to vector<16xi32>
        %shift_left3A_173 = arith.shli %get3A_166, %shift_left3A_172 : vector<16xi32>
        %bitcast_convert_type3A_174 = tpu.bitcast %shift_left3A_173 : vector<16xi32> -> vector<16xf32>
        %select_n3A_175 = arith.select %ne3A_84, %bitcast_convert_type3A_170, %bitcast_convert_type3A_174 : vector<16xi1>, vector<16xf32>
        %add3A_176 = arith.constant 1 : i32
        %add3A_177 = arith.addi %mul3A_76, %add3A_176 : i32
        %get3A_178 = arith.index_cast %add3A_177 : i32 to index
        %get3A_179 = arith.constant 96 : index
        %get3A_180 = tpu.vector_load %arg10[%get3A_178, %get3A_179] {strides = array<i32>} : memref<128x128xi32, #tpu.memory_space<vmem>>, vector<1x16xi32>,
        %get3A_181 = vector.shape_cast %get3A_180 : vector<1x16xi32> to vector<16xi32>
        %and3A_182 = arith.constant -65536 : i32
        %and3A_183 = vector.broadcast %and3A_182 : i32 to vector<16xi32>
        %and3A_184 = arith.andi %get3A_181, %and3A_183 : vector<16xi32>
        %bitcast_convert_type3A_185 = tpu.bitcast %and3A_184 : vector<16xi32> -> vector<16xf32>
        %shift_left3A_186 = arith.constant 16 : i32
        %shift_left3A_187 = vector.broadcast %shift_left3A_186 : i32 to vector<16xi32>
        %shift_left3A_188 = arith.shli %get3A_181, %shift_left3A_187 : vector<16xi32>
        %bitcast_convert_type3A_189 = tpu.bitcast %shift_left3A_188 : vector<16xi32> -> vector<16xf32>
        %select_n3A_190 = arith.select %ne3A_94, %bitcast_convert_type3A_185, %bitcast_convert_type3A_189 : vector<16xi1>, vector<16xf32>
        %add3A_191 = arith.addf %select_n3A_175, %select_n3A_190 : vector<16xf32>
        %get3A_192 = arith.constant 32 : index
        %get3A_193 = tpu.vector_load %arg11[%get3A_192] {strides = array<i32>} : memref<64xf32, #tpu.memory_space<vmem>>, vector<16xf32>,
        %get3A_194 = vector.shape_cast %get3A_193 : vector<16xf32> to vector<16xf32>
        %add3A_195 = arith.addf %add3A_191, %get3A_194 : vector<16xf32>
        %add3A_196 = arith.constant 0 : i32
        %add3A_197 = arith.addi %mul3A_76, %add3A_196 : i32
        %get3A_198 = arith.index_cast %add3A_197 : i32 to index
        %get3A_199 = arith.constant 112 : index
        %get3A_200 = tpu.vector_load %arg10[%get3A_198, %get3A_199] {strides = array<i32>} : memref<128x128xi32, #tpu.memory_space<vmem>>, vector<1x16xi32>,
        %get3A_201 = vector.shape_cast %get3A_200 : vector<1x16xi32> to vector<16xi32>
        %and3A_202 = arith.constant -65536 : i32
        %and3A_203 = vector.broadcast %and3A_202 : i32 to vector<16xi32>
        %and3A_204 = arith.andi %get3A_201, %and3A_203 : vector<16xi32>
        %bitcast_convert_type3A_205 = tpu.bitcast %and3A_204 : vector<16xi32> -> vector<16xf32>
        %shift_left3A_206 = arith.constant 16 : i32
        %shift_left3A_207 = vector.broadcast %shift_left3A_206 : i32 to vector<16xi32>
        %shift_left3A_208 = arith.shli %get3A_201, %shift_left3A_207 : vector<16xi32>
        %bitcast_convert_type3A_209 = tpu.bitcast %shift_left3A_208 : vector<16xi32> -> vector<16xf32>
        %select_n3A_210 = arith.select %ne3A_84, %bitcast_convert_type3A_205, %bitcast_convert_type3A_209 : vector<16xi1>, vector<16xf32>
        %add3A_211 = arith.constant 1 : i32
        %add3A_212 = arith.addi %mul3A_76, %add3A_211 : i32
        %get3A_213 = arith.index_cast %add3A_212 : i32 to index
        %get3A_214 = arith.constant 112 : index
        %get3A_215 = tpu.vector_load %arg10[%get3A_213, %get3A_214] {strides = array<i32>} : memref<128x128xi32, #tpu.memory_space<vmem>>, vector<1x16xi32>,
        %get3A_216 = vector.shape_cast %get3A_215 : vector<1x16xi32> to vector<16xi32>
        %and3A_217 = arith.constant -65536 : i32
        %and3A_218 = vector.broadcast %and3A_217 : i32 to vector<16xi32>
        %and3A_219 = arith.andi %get3A_216, %and3A_218 : vector<16xi32>
        %bitcast_convert_type3A_220 = tpu.bitcast %and3A_219 : vector<16xi32> -> vector<16xf32>
        %shift_left3A_221 = arith.constant 16 : i32
        %shift_left3A_222 = vector.broadcast %shift_left3A_221 : i32 to vector<16xi32>
        %shift_left3A_223 = arith.shli %get3A_216, %shift_left3A_222 : vector<16xi32>
        %bitcast_convert_type3A_224 = tpu.bitcast %shift_left3A_223 : vector<16xi32> -> vector<16xf32>
        %select_n3A_225 = arith.select %ne3A_94, %bitcast_convert_type3A_220, %bitcast_convert_type3A_224 : vector<16xi1>, vector<16xf32>
        %add3A_226 = arith.addf %select_n3A_210, %select_n3A_225 : vector<16xf32>
        %get3A_227 = arith.constant 48 : index
        %get3A_228 = tpu.vector_load %arg11[%get3A_227] {strides = array<i32>} : memref<64xf32, #tpu.memory_space<vmem>>, vector<16xf32>,
        %get3A_229 = vector.shape_cast %get3A_228 : vector<16xf32> to vector<16xf32>
        %add3A_230 = arith.addf %add3A_226, %get3A_229 : vector<16xf32>
        %mul3A_231 = arith.constant 16 : i32
        %mul3A_232 = arith.muli %add3A_53, %mul3A_231 : i32
        %add3A_233 = arith.addi %mul3A_232, %scan3A_74 : i32
        %get3A_234 = arith.index_cast %add3A_233 : i32 to index
        %get3A_235 = arith.constant 32 : index
        %get3A_236 = tpu.vector_load %arg8[%get3A_234, %get3A_235] {strides = array<i32>} : memref<512x128xi32, #tpu.memory_space<vmem>>, vector<1x16xi32>,
        %get3A_237 = vector.shape_cast %get3A_236 : vector<1x16xi32> to vector<16xi32>
        %ne3A_238 = arith.constant 0 : i32
        %ne3A_239 = vector.broadcast %ne3A_238 : i32 to vector<16xi32>
        %ne3A_240 = arith.cmpi ne, %get3A_237, %ne3A_239 : vector<16xi32>
        %add3A_241 = arith.constant 2 : i32
        %add3A_242 = arith.addi %mul3A_76, %add3A_241 : i32
        %get3A_243 = arith.index_cast %add3A_242 : i32 to index
        %get3A_244 = arith.constant 0 : index
        %get3A_245 = tpu.vector_load %arg10[%get3A_243, %get3A_244] {strides = array<i32>} : memref<128x128xi32, #tpu.memory_space<vmem>>, vector<1x16xi32>,
        %get3A_246 = vector.shape_cast %get3A_245 : vector<1x16xi32> to vector<16xi32>
        %and3A_247 = arith.constant -65536 : i32
        %and3A_248 = vector.broadcast %and3A_247 : i32 to vector<16xi32>
        %and3A_249 = arith.andi %get3A_246, %and3A_248 : vector<16xi32>
        %bitcast_convert_type3A_250 = tpu.bitcast %and3A_249 : vector<16xi32> -> vector<16xf32>
        %shift_left3A_251 = arith.constant 16 : i32
        %shift_left3A_252 = vector.broadcast %shift_left3A_251 : i32 to vector<16xi32>
        %shift_left3A_253 = arith.shli %get3A_246, %shift_left3A_252 : vector<16xi32>
        %bitcast_convert_type3A_254 = tpu.bitcast %shift_left3A_253 : vector<16xi32> -> vector<16xf32>
        %select_n3A_255 = arith.select %ne3A_240, %bitcast_convert_type3A_250, %bitcast_convert_type3A_254 : vector<16xi1>, vector<16xf32>
        %mul3A_256 = arith.mulf %add3A_125, %select_n3A_255 : vector<16xf32>
        %add3A_257 = arith.constant 2 : i32
        %add3A_258 = arith.addi %mul3A_76, %add3A_257 : i32
        %get3A_259 = arith.index_cast %add3A_258 : i32 to index
        %get3A_260 = arith.constant 16 : index
        %get3A_261 = tpu.vector_load %arg10[%get3A_259, %get3A_260] {strides = array<i32>} : memref<128x128xi32, #tpu.memory_space<vmem>>, vector<1x16xi32>,
        %get3A_262 = vector.shape_cast %get3A_261 : vector<1x16xi32> to vector<16xi32>
        %and3A_263 = arith.constant -65536 : i32
        %and3A_264 = vector.broadcast %and3A_263 : i32 to vector<16xi32>
        %and3A_265 = arith.andi %get3A_262, %and3A_264 : vector<16xi32>
        %bitcast_convert_type3A_266 = tpu.bitcast %and3A_265 : vector<16xi32> -> vector<16xf32>
        %shift_left3A_267 = arith.constant 16 : i32
        %shift_left3A_268 = vector.broadcast %shift_left3A_267 : i32 to vector<16xi32>
        %shift_left3A_269 = arith.shli %get3A_262, %shift_left3A_268 : vector<16xi32>
        %bitcast_convert_type3A_270 = tpu.bitcast %shift_left3A_269 : vector<16xi32> -> vector<16xf32>
        %select_n3A_271 = arith.select %ne3A_240, %bitcast_convert_type3A_266, %bitcast_convert_type3A_270 : vector<16xi1>, vector<16xf32>
        %mul3A_272 = arith.mulf %add3A_160, %select_n3A_271 : vector<16xf32>
        %add3A_273 = arith.addf %mul3A_256, %mul3A_272 : vector<16xf32>
        %add3A_274 = arith.constant 2 : i32
        %add3A_275 = arith.addi %mul3A_76, %add3A_274 : i32
        %get3A_276 = arith.index_cast %add3A_275 : i32 to index
        %get3A_277 = arith.constant 32 : index
        %get3A_278 = tpu.vector_load %arg10[%get3A_276, %get3A_277] {strides = array<i32>} : memref<128x128xi32, #tpu.memory_space<vmem>>, vector<1x16xi32>,
        %get3A_279 = vector.shape_cast %get3A_278 : vector<1x16xi32> to vector<16xi32>
        %and3A_280 = arith.constant -65536 : i32
        %and3A_281 = vector.broadcast %and3A_280 : i32 to vector<16xi32>
        %and3A_282 = arith.andi %get3A_279, %and3A_281 : vector<16xi32>
        %bitcast_convert_type3A_283 = tpu.bitcast %and3A_282 : vector<16xi32> -> vector<16xf32>
        %shift_left3A_284 = arith.constant 16 : i32
        %shift_left3A_285 = vector.broadcast %shift_left3A_284 : i32 to vector<16xi32>
        %shift_left3A_286 = arith.shli %get3A_279, %shift_left3A_285 : vector<16xi32>
        %bitcast_convert_type3A_287 = tpu.bitcast %shift_left3A_286 : vector<16xi32> -> vector<16xf32>
        %select_n3A_288 = arith.select %ne3A_240, %bitcast_convert_type3A_283, %bitcast_convert_type3A_287 : vector<16xi1>, vector<16xf32>
        %mul3A_289 = arith.mulf %add3A_195, %select_n3A_288 : vector<16xf32>
        %add3A_290 = arith.addf %add3A_273, %mul3A_289 : vector<16xf32>
        %add3A_291 = arith.constant 2 : i32
        %add3A_292 = arith.addi %mul3A_76, %add3A_291 : i32
        %get3A_293 = arith.index_cast %add3A_292 : i32 to index
        %get3A_294 = arith.constant 48 : index
        %get3A_295 = tpu.vector_load %arg10[%get3A_293, %get3A_294] {strides = array<i32>} : memref<128x128xi32, #tpu.memory_space<vmem>>, vector<1x16xi32>,
        %get3A_296 = vector.shape_cast %get3A_295 : vector<1x16xi32> to vector<16xi32>
        %and3A_297 = arith.constant -65536 : i32
        %and3A_298 = vector.broadcast %and3A_297 : i32 to vector<16xi32>
        %and3A_299 = arith.andi %get3A_296, %and3A_298 : vector<16xi32>
        %bitcast_convert_type3A_300 = tpu.bitcast %and3A_299 : vector<16xi32> -> vector<16xf32>
        %shift_left3A_301 = arith.constant 16 : i32
        %shift_left3A_302 = vector.broadcast %shift_left3A_301 : i32 to vector<16xi32>
        %shift_left3A_303 = arith.shli %get3A_296, %shift_left3A_302 : vector<16xi32>
        %bitcast_convert_type3A_304 = tpu.bitcast %shift_left3A_303 : vector<16xi32> -> vector<16xf32>
        %select_n3A_305 = arith.select %ne3A_240, %bitcast_convert_type3A_300, %bitcast_convert_type3A_304 : vector<16xi1>, vector<16xf32>
        %mul3A_306 = arith.mulf %add3A_230, %select_n3A_305 : vector<16xf32>
        %add3A_307 = arith.addf %add3A_290, %mul3A_306 : vector<16xf32>
        %swap3A = arith.index_cast %scan3A_74 : i32 to index
        %swap3A_308 = arith.constant 0 : index
        %swap3A_309 = tpu.vector_load %arg12[%swap3A, %swap3A_308] {strides = array<i32>} : memref<16x128xf32, #tpu.memory_space<vmem>>, vector<1x16xf32>,
        %swap3A_310 = vector.shape_cast %swap3A_309 : vector<1x16xf32> to vector<16xf32>
        %swap3A_311 = vector.shape_cast %add3A_307 : vector<16xf32> to vector<1x16xf32>
        tpu.vector_store %arg12[%swap3A, %swap3A_308], %swap3A_311 {strides = array<i32>} : memref<16x128xf32, #tpu.memory_space<vmem>>, vector<1x16xf32>,
        %mul3A_312 = arith.constant 16 : i32
        %mul3A_313 = arith.muli %add3A_53, %mul3A_312 : i32
        %add3A_314 = arith.addi %mul3A_313, %scan3A_74 : i32
        %get3A_315 = arith.index_cast %add3A_314 : i32 to index
        %get3A_316 = arith.constant 48 : index
        %get3A_317 = tpu.vector_load %arg8[%get3A_315, %get3A_316] {strides = array<i32>} : memref<512x128xi32, #tpu.memory_space<vmem>>, vector<1x16xi32>,
        %get3A_318 = vector.shape_cast %get3A_317 : vector<1x16xi32> to vector<16xi32>
        %ne3A_319 = arith.constant 0 : i32
        %ne3A_320 = vector.broadcast %ne3A_319 : i32 to vector<16xi32>
        %ne3A_321 = arith.cmpi ne, %get3A_318, %ne3A_320 : vector<16xi32>
        %add3A_322 = arith.constant 3 : i32
        %add3A_323 = arith.addi %mul3A_76, %add3A_322 : i32
        %get3A_324 = arith.index_cast %add3A_323 : i32 to index
        %get3A_325 = arith.constant 0 : index
        %get3A_326 = tpu.vector_load %arg10[%get3A_324, %get3A_325] {strides = array<i32>} : memref<128x128xi32, #tpu.memory_space<vmem>>, vector<1x16xi32>,
        %get3A_327 = vector.shape_cast %get3A_326 : vector<1x16xi32> to vector<16xi32>
        %and3A_328 = arith.constant -65536 : i32
        %and3A_329 = vector.broadcast %and3A_328 : i32 to vector<16xi32>
        %and3A_330 = arith.andi %get3A_327, %and3A_329 : vector<16xi32>
        %bitcast_convert_type3A_331 = tpu.bitcast %and3A_330 : vector<16xi32> -> vector<16xf32>
        %shift_left3A_332 = arith.constant 16 : i32
        %shift_left3A_333 = vector.broadcast %shift_left3A_332 : i32 to vector<16xi32>
        %shift_left3A_334 = arith.shli %get3A_327, %shift_left3A_333 : vector<16xi32>
        %bitcast_convert_type3A_335 = tpu.bitcast %shift_left3A_334 : vector<16xi32> -> vector<16xf32>
        %select_n3A_336 = arith.select %ne3A_321, %bitcast_convert_type3A_331, %bitcast_convert_type3A_335 : vector<16xi1>, vector<16xf32>
        %mul3A_337 = arith.mulf %add3A_125, %select_n3A_336 : vector<16xf32>
        %add3A_338 = arith.constant 3 : i32
        %add3A_339 = arith.addi %mul3A_76, %add3A_338 : i32
        %get3A_340 = arith.index_cast %add3A_339 : i32 to index
        %get3A_341 = arith.constant 16 : index
        %get3A_342 = tpu.vector_load %arg10[%get3A_340, %get3A_341] {strides = array<i32>} : memref<128x128xi32, #tpu.memory_space<vmem>>, vector<1x16xi32>,
        %get3A_343 = vector.shape_cast %get3A_342 : vector<1x16xi32> to vector<16xi32>
        %and3A_344 = arith.constant -65536 : i32
        %and3A_345 = vector.broadcast %and3A_344 : i32 to vector<16xi32>
        %and3A_346 = arith.andi %get3A_343, %and3A_345 : vector<16xi32>
        %bitcast_convert_type3A_347 = tpu.bitcast %and3A_346 : vector<16xi32> -> vector<16xf32>
        %shift_left3A_348 = arith.constant 16 : i32
        %shift_left3A_349 = vector.broadcast %shift_left3A_348 : i32 to vector<16xi32>
        %shift_left3A_350 = arith.shli %get3A_343, %shift_left3A_349 : vector<16xi32>
        %bitcast_convert_type3A_351 = tpu.bitcast %shift_left3A_350 : vector<16xi32> -> vector<16xf32>
        %select_n3A_352 = arith.select %ne3A_321, %bitcast_convert_type3A_347, %bitcast_convert_type3A_351 : vector<16xi1>, vector<16xf32>
        %mul3A_353 = arith.mulf %add3A_160, %select_n3A_352 : vector<16xf32>
        %add3A_354 = arith.addf %mul3A_337, %mul3A_353 : vector<16xf32>
        %add3A_355 = arith.constant 3 : i32
        %add3A_356 = arith.addi %mul3A_76, %add3A_355 : i32
        %get3A_357 = arith.index_cast %add3A_356 : i32 to index
        %get3A_358 = arith.constant 32 : index
        %get3A_359 = tpu.vector_load %arg10[%get3A_357, %get3A_358] {strides = array<i32>} : memref<128x128xi32, #tpu.memory_space<vmem>>, vector<1x16xi32>,
        %get3A_360 = vector.shape_cast %get3A_359 : vector<1x16xi32> to vector<16xi32>
        %and3A_361 = arith.constant -65536 : i32
        %and3A_362 = vector.broadcast %and3A_361 : i32 to vector<16xi32>
        %and3A_363 = arith.andi %get3A_360, %and3A_362 : vector<16xi32>
        %bitcast_convert_type3A_364 = tpu.bitcast %and3A_363 : vector<16xi32> -> vector<16xf32>
        %shift_left3A_365 = arith.constant 16 : i32
        %shift_left3A_366 = vector.broadcast %shift_left3A_365 : i32 to vector<16xi32>
        %shift_left3A_367 = arith.shli %get3A_360, %shift_left3A_366 : vector<16xi32>
        %bitcast_convert_type3A_368 = tpu.bitcast %shift_left3A_367 : vector<16xi32> -> vector<16xf32>
        %select_n3A_369 = arith.select %ne3A_321, %bitcast_convert_type3A_364, %bitcast_convert_type3A_368 : vector<16xi1>, vector<16xf32>
        %mul3A_370 = arith.mulf %add3A_195, %select_n3A_369 : vector<16xf32>
        %add3A_371 = arith.addf %add3A_354, %mul3A_370 : vector<16xf32>
        %add3A_372 = arith.constant 3 : i32
        %add3A_373 = arith.addi %mul3A_76, %add3A_372 : i32
        %get3A_374 = arith.index_cast %add3A_373 : i32 to index
        %get3A_375 = arith.constant 48 : index
        %get3A_376 = tpu.vector_load %arg10[%get3A_374, %get3A_375] {strides = array<i32>} : memref<128x128xi32, #tpu.memory_space<vmem>>, vector<1x16xi32>,
        %get3A_377 = vector.shape_cast %get3A_376 : vector<1x16xi32> to vector<16xi32>
        %and3A_378 = arith.constant -65536 : i32
        %and3A_379 = vector.broadcast %and3A_378 : i32 to vector<16xi32>
        %and3A_380 = arith.andi %get3A_377, %and3A_379 : vector<16xi32>
        %bitcast_convert_type3A_381 = tpu.bitcast %and3A_380 : vector<16xi32> -> vector<16xf32>
        %shift_left3A_382 = arith.constant 16 : i32
        %shift_left3A_383 = vector.broadcast %shift_left3A_382 : i32 to vector<16xi32>
        %shift_left3A_384 = arith.shli %get3A_377, %shift_left3A_383 : vector<16xi32>
        %bitcast_convert_type3A_385 = tpu.bitcast %shift_left3A_384 : vector<16xi32> -> vector<16xf32>
        %select_n3A_386 = arith.select %ne3A_321, %bitcast_convert_type3A_381, %bitcast_convert_type3A_385 : vector<16xi1>, vector<16xf32>
        %mul3A_387 = arith.mulf %add3A_230, %select_n3A_386 : vector<16xf32>
        %add3A_388 = arith.addf %add3A_371, %mul3A_387 : vector<16xf32>
        %swap3A_389 = arith.index_cast %scan3A_74 : i32 to index
        %swap3A_390 = arith.constant 16 : index
        %swap3A_391 = tpu.vector_load %arg12[%swap3A_389, %swap3A_390] {strides = array<i32>} : memref<16x128xf32, #tpu.memory_space<vmem>>, vector<1x16xf32>,
        %swap3A_392 = vector.shape_cast %swap3A_391 : vector<1x16xf32> to vector<16xf32>
        %swap3A_393 = vector.shape_cast %add3A_388 : vector<16xf32> to vector<1x16xf32>
        tpu.vector_store %arg12[%swap3A_389, %swap3A_390], %swap3A_393 {strides = array<i32>} : memref<16x128xf32, #tpu.memory_space<vmem>>, vector<1x16xf32>,
        %mul3A_394 = arith.constant 16 : i32
        %mul3A_395 = arith.muli %add3A_53, %mul3A_394 : i32
        %add3A_396 = arith.addi %mul3A_395, %scan3A_74 : i32
        %get3A_397 = arith.index_cast %add3A_396 : i32 to index
        %get3A_398 = arith.constant 64 : index
        %get3A_399 = tpu.vector_load %arg8[%get3A_397, %get3A_398] {strides = array<i32>} : memref<512x128xi32, #tpu.memory_space<vmem>>, vector<1x16xi32>,
        %get3A_400 = vector.shape_cast %get3A_399 : vector<1x16xi32> to vector<16xi32>
        %ne3A_401 = arith.constant 0 : i32
        %ne3A_402 = vector.broadcast %ne3A_401 : i32 to vector<16xi32>
        %ne3A_403 = arith.cmpi ne, %get3A_400, %ne3A_402 : vector<16xi32>
        %add3A_404 = arith.constant 4 : i32
        %add3A_405 = arith.addi %mul3A_76, %add3A_404 : i32
        %get3A_406 = arith.index_cast %add3A_405 : i32 to index
        %get3A_407 = arith.constant 0 : index
        %get3A_408 = tpu.vector_load %arg10[%get3A_406, %get3A_407] {strides = array<i32>} : memref<128x128xi32, #tpu.memory_space<vmem>>, vector<1x16xi32>,
        %get3A_409 = vector.shape_cast %get3A_408 : vector<1x16xi32> to vector<16xi32>
        %and3A_410 = arith.constant -65536 : i32
        %and3A_411 = vector.broadcast %and3A_410 : i32 to vector<16xi32>
        %and3A_412 = arith.andi %get3A_409, %and3A_411 : vector<16xi32>
        %bitcast_convert_type3A_413 = tpu.bitcast %and3A_412 : vector<16xi32> -> vector<16xf32>
        %shift_left3A_414 = arith.constant 16 : i32
        %shift_left3A_415 = vector.broadcast %shift_left3A_414 : i32 to vector<16xi32>
        %shift_left3A_416 = arith.shli %get3A_409, %shift_left3A_415 : vector<16xi32>
        %bitcast_convert_type3A_417 = tpu.bitcast %shift_left3A_416 : vector<16xi32> -> vector<16xf32>
        %select_n3A_418 = arith.select %ne3A_403, %bitcast_convert_type3A_413, %bitcast_convert_type3A_417 : vector<16xi1>, vector<16xf32>
        %mul3A_419 = arith.mulf %add3A_125, %select_n3A_418 : vector<16xf32>
        %add3A_420 = arith.constant 4 : i32
        %add3A_421 = arith.addi %mul3A_76, %add3A_420 : i32
        %get3A_422 = arith.index_cast %add3A_421 : i32 to index
        %get3A_423 = arith.constant 16 : index
        %get3A_424 = tpu.vector_load %arg10[%get3A_422, %get3A_423] {strides = array<i32>} : memref<128x128xi32, #tpu.memory_space<vmem>>, vector<1x16xi32>,
        %get3A_425 = vector.shape_cast %get3A_424 : vector<1x16xi32> to vector<16xi32>
        %and3A_426 = arith.constant -65536 : i32
        %and3A_427 = vector.broadcast %and3A_426 : i32 to vector<16xi32>
        %and3A_428 = arith.andi %get3A_425, %and3A_427 : vector<16xi32>
        %bitcast_convert_type3A_429 = tpu.bitcast %and3A_428 : vector<16xi32> -> vector<16xf32>
        %shift_left3A_430 = arith.constant 16 : i32
        %shift_left3A_431 = vector.broadcast %shift_left3A_430 : i32 to vector<16xi32>
        %shift_left3A_432 = arith.shli %get3A_425, %shift_left3A_431 : vector<16xi32>
        %bitcast_convert_type3A_433 = tpu.bitcast %shift_left3A_432 : vector<16xi32> -> vector<16xf32>
        %select_n3A_434 = arith.select %ne3A_403, %bitcast_convert_type3A_429, %bitcast_convert_type3A_433 : vector<16xi1>, vector<16xf32>
        %mul3A_435 = arith.mulf %add3A_160, %select_n3A_434 : vector<16xf32>
        %add3A_436 = arith.addf %mul3A_419, %mul3A_435 : vector<16xf32>
        %add3A_437 = arith.constant 4 : i32
        %add3A_438 = arith.addi %mul3A_76, %add3A_437 : i32
        %get3A_439 = arith.index_cast %add3A_438 : i32 to index
        %get3A_440 = arith.constant 32 : index
        %get3A_441 = tpu.vector_load %arg10[%get3A_439, %get3A_440] {strides = array<i32>} : memref<128x128xi32, #tpu.memory_space<vmem>>, vector<1x16xi32>,
        %get3A_442 = vector.shape_cast %get3A_441 : vector<1x16xi32> to vector<16xi32>
        %and3A_443 = arith.constant -65536 : i32
        %and3A_444 = vector.broadcast %and3A_443 : i32 to vector<16xi32>
        %and3A_445 = arith.andi %get3A_442, %and3A_444 : vector<16xi32>
        %bitcast_convert_type3A_446 = tpu.bitcast %and3A_445 : vector<16xi32> -> vector<16xf32>
        %shift_left3A_447 = arith.constant 16 : i32
        %shift_left3A_448 = vector.broadcast %shift_left3A_447 : i32 to vector<16xi32>
        %shift_left3A_449 = arith.shli %get3A_442, %shift_left3A_448 : vector<16xi32>
        %bitcast_convert_type3A_450 = tpu.bitcast %shift_left3A_449 : vector<16xi32> -> vector<16xf32>
        %select_n3A_451 = arith.select %ne3A_403, %bitcast_convert_type3A_446, %bitcast_convert_type3A_450 : vector<16xi1>, vector<16xf32>
        %mul3A_452 = arith.mulf %add3A_195, %select_n3A_451 : vector<16xf32>
        %add3A_453 = arith.addf %add3A_436, %mul3A_452 : vector<16xf32>
        %add3A_454 = arith.constant 4 : i32
        %add3A_455 = arith.addi %mul3A_76, %add3A_454 : i32
        %get3A_456 = arith.index_cast %add3A_455 : i32 to index
        %get3A_457 = arith.constant 48 : index
        %get3A_458 = tpu.vector_load %arg10[%get3A_456, %get3A_457] {strides = array<i32>} : memref<128x128xi32, #tpu.memory_space<vmem>>, vector<1x16xi32>,
        %get3A_459 = vector.shape_cast %get3A_458 : vector<1x16xi32> to vector<16xi32>
        %and3A_460 = arith.constant -65536 : i32
        %and3A_461 = vector.broadcast %and3A_460 : i32 to vector<16xi32>
        %and3A_462 = arith.andi %get3A_459, %and3A_461 : vector<16xi32>
        %bitcast_convert_type3A_463 = tpu.bitcast %and3A_462 : vector<16xi32> -> vector<16xf32>
        %shift_left3A_464 = arith.constant 16 : i32
        %shift_left3A_465 = vector.broadcast %shift_left3A_464 : i32 to vector<16xi32>
        %shift_left3A_466 = arith.shli %get3A_459, %shift_left3A_465 : vector<16xi32>
        %bitcast_convert_type3A_467 = tpu.bitcast %shift_left3A_466 : vector<16xi32> -> vector<16xf32>
        %select_n3A_468 = arith.select %ne3A_403, %bitcast_convert_type3A_463, %bitcast_convert_type3A_467 : vector<16xi1>, vector<16xf32>
        %mul3A_469 = arith.mulf %add3A_230, %select_n3A_468 : vector<16xf32>
        %add3A_470 = arith.addf %add3A_453, %mul3A_469 : vector<16xf32>
        %swap3A_471 = arith.index_cast %scan3A_74 : i32 to index
        %swap3A_472 = arith.constant 32 : index
        %swap3A_473 = tpu.vector_load %arg12[%swap3A_471, %swap3A_472] {strides = array<i32>} : memref<16x128xf32, #tpu.memory_space<vmem>>, vector<1x16xf32>,
        %swap3A_474 = vector.shape_cast %swap3A_473 : vector<1x16xf32> to vector<16xf32>
        %swap3A_475 = vector.shape_cast %add3A_470 : vector<16xf32> to vector<1x16xf32>
        tpu.vector_store %arg12[%swap3A_471, %swap3A_472], %swap3A_475 {strides = array<i32>} : memref<16x128xf32, #tpu.memory_space<vmem>>, vector<1x16xf32>,
        %mul3A_476 = arith.constant 16 : i32
        %mul3A_477 = arith.muli %add3A_53, %mul3A_476 : i32
        %add3A_478 = arith.addi %mul3A_477, %scan3A_74 : i32
        %get3A_479 = arith.index_cast %add3A_478 : i32 to index
        %get3A_480 = arith.constant 80 : index
        %get3A_481 = tpu.vector_load %arg8[%get3A_479, %get3A_480] {strides = array<i32>} : memref<512x128xi32, #tpu.memory_space<vmem>>, vector<1x16xi32>,
        %get3A_482 = vector.shape_cast %get3A_481 : vector<1x16xi32> to vector<16xi32>
        %ne3A_483 = arith.constant 0 : i32
        %ne3A_484 = vector.broadcast %ne3A_483 : i32 to vector<16xi32>
        %ne3A_485 = arith.cmpi ne, %get3A_482, %ne3A_484 : vector<16xi32>
        %add3A_486 = arith.constant 5 : i32
        %add3A_487 = arith.addi %mul3A_76, %add3A_486 : i32
        %get3A_488 = arith.index_cast %add3A_487 : i32 to index
        %get3A_489 = arith.constant 0 : index
        %get3A_490 = tpu.vector_load %arg10[%get3A_488, %get3A_489] {strides = array<i32>} : memref<128x128xi32, #tpu.memory_space<vmem>>, vector<1x16xi32>,
        %get3A_491 = vector.shape_cast %get3A_490 : vector<1x16xi32> to vector<16xi32>
        %and3A_492 = arith.constant -65536 : i32
        %and3A_493 = vector.broadcast %and3A_492 : i32 to vector<16xi32>
        %and3A_494 = arith.andi %get3A_491, %and3A_493 : vector<16xi32>
        %bitcast_convert_type3A_495 = tpu.bitcast %and3A_494 : vector<16xi32> -> vector<16xf32>
        %shift_left3A_496 = arith.constant 16 : i32
        %shift_left3A_497 = vector.broadcast %shift_left3A_496 : i32 to vector<16xi32>
        %shift_left3A_498 = arith.shli %get3A_491, %shift_left3A_497 : vector<16xi32>
        %bitcast_convert_type3A_499 = tpu.bitcast %shift_left3A_498 : vector<16xi32> -> vector<16xf32>
        %select_n3A_500 = arith.select %ne3A_485, %bitcast_convert_type3A_495, %bitcast_convert_type3A_499 : vector<16xi1>, vector<16xf32>
        %mul3A_501 = arith.mulf %add3A_125, %select_n3A_500 : vector<16xf32>
        %add3A_502 = arith.constant 5 : i32
        %add3A_503 = arith.addi %mul3A_76, %add3A_502 : i32
        %get3A_504 = arith.index_cast %add3A_503 : i32 to index
        %get3A_505 = arith.constant 16 : index
        %get3A_506 = tpu.vector_load %arg10[%get3A_504, %get3A_505] {strides = array<i32>} : memref<128x128xi32, #tpu.memory_space<vmem>>, vector<1x16xi32>,
        %get3A_507 = vector.shape_cast %get3A_506 : vector<1x16xi32> to vector<16xi32>
        %and3A_508 = arith.constant -65536 : i32
        %and3A_509 = vector.broadcast %and3A_508 : i32 to vector<16xi32>
        %and3A_510 = arith.andi %get3A_507, %and3A_509 : vector<16xi32>
        %bitcast_convert_type3A_511 = tpu.bitcast %and3A_510 : vector<16xi32> -> vector<16xf32>
        %shift_left3A_512 = arith.constant 16 : i32
        %shift_left3A_513 = vector.broadcast %shift_left3A_512 : i32 to vector<16xi32>
        %shift_left3A_514 = arith.shli %get3A_507, %shift_left3A_513 : vector<16xi32>
        %bitcast_convert_type3A_515 = tpu.bitcast %shift_left3A_514 : vector<16xi32> -> vector<16xf32>
        %select_n3A_516 = arith.select %ne3A_485, %bitcast_convert_type3A_511, %bitcast_convert_type3A_515 : vector<16xi1>, vector<16xf32>
        %mul3A_517 = arith.mulf %add3A_160, %select_n3A_516 : vector<16xf32>
        %add3A_518 = arith.addf %mul3A_501, %mul3A_517 : vector<16xf32>
        %add3A_519 = arith.constant 5 : i32
        %add3A_520 = arith.addi %mul3A_76, %add3A_519 : i32
        %get3A_521 = arith.index_cast %add3A_520 : i32 to index
        %get3A_522 = arith.constant 32 : index
        %get3A_523 = tpu.vector_load %arg10[%get3A_521, %get3A_522] {strides = array<i32>} : memref<128x128xi32, #tpu.memory_space<vmem>>, vector<1x16xi32>,
        %get3A_524 = vector.shape_cast %get3A_523 : vector<1x16xi32> to vector<16xi32>
        %and3A_525 = arith.constant -65536 : i32
        %and3A_526 = vector.broadcast %and3A_525 : i32 to vector<16xi32>
        %and3A_527 = arith.andi %get3A_524, %and3A_526 : vector<16xi32>
        %bitcast_convert_type3A_528 = tpu.bitcast %and3A_527 : vector<16xi32> -> vector<16xf32>
        %shift_left3A_529 = arith.constant 16 : i32
        %shift_left3A_530 = vector.broadcast %shift_left3A_529 : i32 to vector<16xi32>
        %shift_left3A_531 = arith.shli %get3A_524, %shift_left3A_530 : vector<16xi32>
        %bitcast_convert_type3A_532 = tpu.bitcast %shift_left3A_531 : vector<16xi32> -> vector<16xf32>
        %select_n3A_533 = arith.select %ne3A_485, %bitcast_convert_type3A_528, %bitcast_convert_type3A_532 : vector<16xi1>, vector<16xf32>
        %mul3A_534 = arith.mulf %add3A_195, %select_n3A_533 : vector<16xf32>
        %add3A_535 = arith.addf %add3A_518, %mul3A_534 : vector<16xf32>
        %add3A_536 = arith.constant 5 : i32
        %add3A_537 = arith.addi %mul3A_76, %add3A_536 : i32
        %get3A_538 = arith.index_cast %add3A_537 : i32 to index
        %get3A_539 = arith.constant 48 : index
        %get3A_540 = tpu.vector_load %arg10[%get3A_538, %get3A_539] {strides = array<i32>} : memref<128x128xi32, #tpu.memory_space<vmem>>, vector<1x16xi32>,
        %get3A_541 = vector.shape_cast %get3A_540 : vector<1x16xi32> to vector<16xi32>
        %and3A_542 = arith.constant -65536 : i32
        %and3A_543 = vector.broadcast %and3A_542 : i32 to vector<16xi32>
        %and3A_544 = arith.andi %get3A_541, %and3A_543 : vector<16xi32>
        %bitcast_convert_type3A_545 = tpu.bitcast %and3A_544 : vector<16xi32> -> vector<16xf32>
        %shift_left3A_546 = arith.constant 16 : i32
        %shift_left3A_547 = vector.broadcast %shift_left3A_546 : i32 to vector<16xi32>
        %shift_left3A_548 = arith.shli %get3A_541, %shift_left3A_547 : vector<16xi32>
        %bitcast_convert_type3A_549 = tpu.bitcast %shift_left3A_548 : vector<16xi32> -> vector<16xf32>
        %select_n3A_550 = arith.select %ne3A_485, %bitcast_convert_type3A_545, %bitcast_convert_type3A_549 : vector<16xi1>, vector<16xf32>
        %mul3A_551 = arith.mulf %add3A_230, %select_n3A_550 : vector<16xf32>
        %add3A_552 = arith.addf %add3A_535, %mul3A_551 : vector<16xf32>
        %swap3A_553 = arith.index_cast %scan3A_74 : i32 to index
        %swap3A_554 = arith.constant 48 : index
        %swap3A_555 = tpu.vector_load %arg12[%swap3A_553, %swap3A_554] {strides = array<i32>} : memref<16x128xf32, #tpu.memory_space<vmem>>, vector<1x16xf32>,
        %swap3A_556 = vector.shape_cast %swap3A_555 : vector<1x16xf32> to vector<16xf32>
        %swap3A_557 = vector.shape_cast %add3A_552 : vector<16xf32> to vector<1x16xf32>
        tpu.vector_store %arg12[%swap3A_553, %swap3A_554], %swap3A_557 {strides = array<i32>} : memref<16x128xf32, #tpu.memory_space<vmem>>, vector<1x16xf32>,
        %mul3A_558 = arith.constant 16 : i32
        %mul3A_559 = arith.muli %add3A_53, %mul3A_558 : i32
        %add3A_560 = arith.addi %mul3A_559, %scan3A_74 : i32
        %get3A_561 = arith.index_cast %add3A_560 : i32 to index
        %get3A_562 = arith.constant 96 : index
        %get3A_563 = tpu.vector_load %arg8[%get3A_561, %get3A_562] {strides = array<i32>} : memref<512x128xi32, #tpu.memory_space<vmem>>, vector<1x16xi32>,
        %get3A_564 = vector.shape_cast %get3A_563 : vector<1x16xi32> to vector<16xi32>
        %ne3A_565 = arith.constant 0 : i32
        %ne3A_566 = vector.broadcast %ne3A_565 : i32 to vector<16xi32>
        %ne3A_567 = arith.cmpi ne, %get3A_564, %ne3A_566 : vector<16xi32>
        %add3A_568 = arith.constant 6 : i32
        %add3A_569 = arith.addi %mul3A_76, %add3A_568 : i32
        %get3A_570 = arith.index_cast %add3A_569 : i32 to index
        %get3A_571 = arith.constant 0 : index
        %get3A_572 = tpu.vector_load %arg10[%get3A_570, %get3A_571] {strides = array<i32>} : memref<128x128xi32, #tpu.memory_space<vmem>>, vector<1x16xi32>,
        %get3A_573 = vector.shape_cast %get3A_572 : vector<1x16xi32> to vector<16xi32>
        %and3A_574 = arith.constant -65536 : i32
        %and3A_575 = vector.broadcast %and3A_574 : i32 to vector<16xi32>
        %and3A_576 = arith.andi %get3A_573, %and3A_575 : vector<16xi32>
        %bitcast_convert_type3A_577 = tpu.bitcast %and3A_576 : vector<16xi32> -> vector<16xf32>
        %shift_left3A_578 = arith.constant 16 : i32
        %shift_left3A_579 = vector.broadcast %shift_left3A_578 : i32 to vector<16xi32>
        %shift_left3A_580 = arith.shli %get3A_573, %shift_left3A_579 : vector<16xi32>
        %bitcast_convert_type3A_581 = tpu.bitcast %shift_left3A_580 : vector<16xi32> -> vector<16xf32>
        %select_n3A_582 = arith.select %ne3A_567, %bitcast_convert_type3A_577, %bitcast_convert_type3A_581 : vector<16xi1>, vector<16xf32>
        %mul3A_583 = arith.mulf %add3A_125, %select_n3A_582 : vector<16xf32>
        %add3A_584 = arith.constant 6 : i32
        %add3A_585 = arith.addi %mul3A_76, %add3A_584 : i32
        %get3A_586 = arith.index_cast %add3A_585 : i32 to index
        %get3A_587 = arith.constant 16 : index
        %get3A_588 = tpu.vector_load %arg10[%get3A_586, %get3A_587] {strides = array<i32>} : memref<128x128xi32, #tpu.memory_space<vmem>>, vector<1x16xi32>,
        %get3A_589 = vector.shape_cast %get3A_588 : vector<1x16xi32> to vector<16xi32>
        %and3A_590 = arith.constant -65536 : i32
        %and3A_591 = vector.broadcast %and3A_590 : i32 to vector<16xi32>
        %and3A_592 = arith.andi %get3A_589, %and3A_591 : vector<16xi32>
        %bitcast_convert_type3A_593 = tpu.bitcast %and3A_592 : vector<16xi32> -> vector<16xf32>
        %shift_left3A_594 = arith.constant 16 : i32
        %shift_left3A_595 = vector.broadcast %shift_left3A_594 : i32 to vector<16xi32>
        %shift_left3A_596 = arith.shli %get3A_589, %shift_left3A_595 : vector<16xi32>
        %bitcast_convert_type3A_597 = tpu.bitcast %shift_left3A_596 : vector<16xi32> -> vector<16xf32>
        %select_n3A_598 = arith.select %ne3A_567, %bitcast_convert_type3A_593, %bitcast_convert_type3A_597 : vector<16xi1>, vector<16xf32>
        %mul3A_599 = arith.mulf %add3A_160, %select_n3A_598 : vector<16xf32>
        %add3A_600 = arith.addf %mul3A_583, %mul3A_599 : vector<16xf32>
        %add3A_601 = arith.constant 6 : i32
        %add3A_602 = arith.addi %mul3A_76, %add3A_601 : i32
        %get3A_603 = arith.index_cast %add3A_602 : i32 to index
        %get3A_604 = arith.constant 32 : index
        %get3A_605 = tpu.vector_load %arg10[%get3A_603, %get3A_604] {strides = array<i32>} : memref<128x128xi32, #tpu.memory_space<vmem>>, vector<1x16xi32>,
        %get3A_606 = vector.shape_cast %get3A_605 : vector<1x16xi32> to vector<16xi32>
        %and3A_607 = arith.constant -65536 : i32
        %and3A_608 = vector.broadcast %and3A_607 : i32 to vector<16xi32>
        %and3A_609 = arith.andi %get3A_606, %and3A_608 : vector<16xi32>
        %bitcast_convert_type3A_610 = tpu.bitcast %and3A_609 : vector<16xi32> -> vector<16xf32>
        %shift_left3A_611 = arith.constant 16 : i32
        %shift_left3A_612 = vector.broadcast %shift_left3A_611 : i32 to vector<16xi32>
        %shift_left3A_613 = arith.shli %get3A_606, %shift_left3A_612 : vector<16xi32>
        %bitcast_convert_type3A_614 = tpu.bitcast %shift_left3A_613 : vector<16xi32> -> vector<16xf32>
        %select_n3A_615 = arith.select %ne3A_567, %bitcast_convert_type3A_610, %bitcast_convert_type3A_614 : vector<16xi1>, vector<16xf32>
        %mul3A_616 = arith.mulf %add3A_195, %select_n3A_615 : vector<16xf32>
        %add3A_617 = arith.addf %add3A_600, %mul3A_616 : vector<16xf32>
        %add3A_618 = arith.constant 6 : i32
        %add3A_619 = arith.addi %mul3A_76, %add3A_618 : i32
        %get3A_620 = arith.index_cast %add3A_619 : i32 to index
        %get3A_621 = arith.constant 48 : index
        %get3A_622 = tpu.vector_load %arg10[%get3A_620, %get3A_621] {strides = array<i32>} : memref<128x128xi32, #tpu.memory_space<vmem>>, vector<1x16xi32>,
        %get3A_623 = vector.shape_cast %get3A_622 : vector<1x16xi32> to vector<16xi32>
        %and3A_624 = arith.constant -65536 : i32
        %and3A_625 = vector.broadcast %and3A_624 : i32 to vector<16xi32>
        %and3A_626 = arith.andi %get3A_623, %and3A_625 : vector<16xi32>
        %bitcast_convert_type3A_627 = tpu.bitcast %and3A_626 : vector<16xi32> -> vector<16xf32>
        %shift_left3A_628 = arith.constant 16 : i32
        %shift_left3A_629 = vector.broadcast %shift_left3A_628 : i32 to vector<16xi32>
        %shift_left3A_630 = arith.shli %get3A_623, %shift_left3A_629 : vector<16xi32>
        %bitcast_convert_type3A_631 = tpu.bitcast %shift_left3A_630 : vector<16xi32> -> vector<16xf32>
        %select_n3A_632 = arith.select %ne3A_567, %bitcast_convert_type3A_627, %bitcast_convert_type3A_631 : vector<16xi1>, vector<16xf32>
        %mul3A_633 = arith.mulf %add3A_230, %select_n3A_632 : vector<16xf32>
        %add3A_634 = arith.addf %add3A_617, %mul3A_633 : vector<16xf32>
        %swap3A_635 = arith.index_cast %scan3A_74 : i32 to index
        %swap3A_636 = arith.constant 64 : index
        %swap3A_637 = tpu.vector_load %arg12[%swap3A_635, %swap3A_636] {strides = array<i32>} : memref<16x128xf32, #tpu.memory_space<vmem>>, vector<1x16xf32>,
        %swap3A_638 = vector.shape_cast %swap3A_637 : vector<1x16xf32> to vector<16xf32>
        %swap3A_639 = vector.shape_cast %add3A_634 : vector<16xf32> to vector<1x16xf32>
        tpu.vector_store %arg12[%swap3A_635, %swap3A_636], %swap3A_639 {strides = array<i32>} : memref<16x128xf32, #tpu.memory_space<vmem>>, vector<1x16xf32>,
        %mul3A_640 = arith.constant 16 : i32
        %mul3A_641 = arith.muli %add3A_53, %mul3A_640 : i32
        %add3A_642 = arith.addi %mul3A_641, %scan3A_74 : i32
        %get3A_643 = arith.index_cast %add3A_642 : i32 to index
        %get3A_644 = arith.constant 112 : index
        %get3A_645 = tpu.vector_load %arg8[%get3A_643, %get3A_644] {strides = array<i32>} : memref<512x128xi32, #tpu.memory_space<vmem>>, vector<1x16xi32>,
        %get3A_646 = vector.shape_cast %get3A_645 : vector<1x16xi32> to vector<16xi32>
        %ne3A_647 = arith.constant 0 : i32
        %ne3A_648 = vector.broadcast %ne3A_647 : i32 to vector<16xi32>
        %ne3A_649 = arith.cmpi ne, %get3A_646, %ne3A_648 : vector<16xi32>
        %add3A_650 = arith.constant 7 : i32
        %add3A_651 = arith.addi %mul3A_76, %add3A_650 : i32
        %get3A_652 = arith.index_cast %add3A_651 : i32 to index
        %get3A_653 = arith.constant 0 : index
        %get3A_654 = tpu.vector_load %arg10[%get3A_652, %get3A_653] {strides = array<i32>} : memref<128x128xi32, #tpu.memory_space<vmem>>, vector<1x16xi32>,
        %get3A_655 = vector.shape_cast %get3A_654 : vector<1x16xi32> to vector<16xi32>
        %and3A_656 = arith.constant -65536 : i32
        %and3A_657 = vector.broadcast %and3A_656 : i32 to vector<16xi32>
        %and3A_658 = arith.andi %get3A_655, %and3A_657 : vector<16xi32>
        %bitcast_convert_type3A_659 = tpu.bitcast %and3A_658 : vector<16xi32> -> vector<16xf32>
        %shift_left3A_660 = arith.constant 16 : i32
        %shift_left3A_661 = vector.broadcast %shift_left3A_660 : i32 to vector<16xi32>
        %shift_left3A_662 = arith.shli %get3A_655, %shift_left3A_661 : vector<16xi32>
        %bitcast_convert_type3A_663 = tpu.bitcast %shift_left3A_662 : vector<16xi32> -> vector<16xf32>
        %select_n3A_664 = arith.select %ne3A_649, %bitcast_convert_type3A_659, %bitcast_convert_type3A_663 : vector<16xi1>, vector<16xf32>
        %mul3A_665 = arith.mulf %add3A_125, %select_n3A_664 : vector<16xf32>
        %add3A_666 = arith.constant 7 : i32
        %add3A_667 = arith.addi %mul3A_76, %add3A_666 : i32
        %get3A_668 = arith.index_cast %add3A_667 : i32 to index
        %get3A_669 = arith.constant 16 : index
        %get3A_670 = tpu.vector_load %arg10[%get3A_668, %get3A_669] {strides = array<i32>} : memref<128x128xi32, #tpu.memory_space<vmem>>, vector<1x16xi32>,
        %get3A_671 = vector.shape_cast %get3A_670 : vector<1x16xi32> to vector<16xi32>
        %and3A_672 = arith.constant -65536 : i32
        %and3A_673 = vector.broadcast %and3A_672 : i32 to vector<16xi32>
        %and3A_674 = arith.andi %get3A_671, %and3A_673 : vector<16xi32>
        %bitcast_convert_type3A_675 = tpu.bitcast %and3A_674 : vector<16xi32> -> vector<16xf32>
        %shift_left3A_676 = arith.constant 16 : i32
        %shift_left3A_677 = vector.broadcast %shift_left3A_676 : i32 to vector<16xi32>
        %shift_left3A_678 = arith.shli %get3A_671, %shift_left3A_677 : vector<16xi32>
        %bitcast_convert_type3A_679 = tpu.bitcast %shift_left3A_678 : vector<16xi32> -> vector<16xf32>
        %select_n3A_680 = arith.select %ne3A_649, %bitcast_convert_type3A_675, %bitcast_convert_type3A_679 : vector<16xi1>, vector<16xf32>
        %mul3A_681 = arith.mulf %add3A_160, %select_n3A_680 : vector<16xf32>
        %add3A_682 = arith.addf %mul3A_665, %mul3A_681 : vector<16xf32>
        %add3A_683 = arith.constant 7 : i32
        %add3A_684 = arith.addi %mul3A_76, %add3A_683 : i32
        %get3A_685 = arith.index_cast %add3A_684 : i32 to index
        %get3A_686 = arith.constant 32 : index
        %get3A_687 = tpu.vector_load %arg10[%get3A_685, %get3A_686] {strides = array<i32>} : memref<128x128xi32, #tpu.memory_space<vmem>>, vector<1x16xi32>,
        %get3A_688 = vector.shape_cast %get3A_687 : vector<1x16xi32> to vector<16xi32>
        %and3A_689 = arith.constant -65536 : i32
        %and3A_690 = vector.broadcast %and3A_689 : i32 to vector<16xi32>
        %and3A_691 = arith.andi %get3A_688, %and3A_690 : vector<16xi32>
        %bitcast_convert_type3A_692 = tpu.bitcast %and3A_691 : vector<16xi32> -> vector<16xf32>
        %shift_left3A_693 = arith.constant 16 : i32
        %shift_left3A_694 = vector.broadcast %shift_left3A_693 : i32 to vector<16xi32>
        %shift_left3A_695 = arith.shli %get3A_688, %shift_left3A_694 : vector<16xi32>
        %bitcast_convert_type3A_696 = tpu.bitcast %shift_left3A_695 : vector<16xi32> -> vector<16xf32>
        %select_n3A_697 = arith.select %ne3A_649, %bitcast_convert_type3A_692, %bitcast_convert_type3A_696 : vector<16xi1>, vector<16xf32>
        %mul3A_698 = arith.mulf %add3A_195, %select_n3A_697 : vector<16xf32>
        %add3A_699 = arith.addf %add3A_682, %mul3A_698 : vector<16xf32>
        %add3A_700 = arith.constant 7 : i32
        %add3A_701 = arith.addi %mul3A_76, %add3A_700 : i32
        %get3A_702 = arith.index_cast %add3A_701 : i32 to index
        %get3A_703 = arith.constant 48 : index
        %get3A_704 = tpu.vector_load %arg10[%get3A_702, %get3A_703] {strides = array<i32>} : memref<128x128xi32, #tpu.memory_space<vmem>>, vector<1x16xi32>,
        %get3A_705 = vector.shape_cast %get3A_704 : vector<1x16xi32> to vector<16xi32>
        %and3A_706 = arith.constant -65536 : i32
        %and3A_707 = vector.broadcast %and3A_706 : i32 to vector<16xi32>
        %and3A_708 = arith.andi %get3A_705, %and3A_707 : vector<16xi32>
        %bitcast_convert_type3A_709 = tpu.bitcast %and3A_708 : vector<16xi32> -> vector<16xf32>
        %shift_left3A_710 = arith.constant 16 : i32
        %shift_left3A_711 = vector.broadcast %shift_left3A_710 : i32 to vector<16xi32>
        %shift_left3A_712 = arith.shli %get3A_705, %shift_left3A_711 : vector<16xi32>
        %bitcast_convert_type3A_713 = tpu.bitcast %shift_left3A_712 : vector<16xi32> -> vector<16xf32>
        %select_n3A_714 = arith.select %ne3A_649, %bitcast_convert_type3A_709, %bitcast_convert_type3A_713 : vector<16xi1>, vector<16xf32>
        %mul3A_715 = arith.mulf %add3A_230, %select_n3A_714 : vector<16xf32>
        %add3A_716 = arith.addf %add3A_699, %mul3A_715 : vector<16xf32>
        %swap3A_717 = arith.index_cast %scan3A_74 : i32 to index
        %swap3A_718 = arith.constant 80 : index
        %swap3A_719 = tpu.vector_load %arg12[%swap3A_717, %swap3A_718] {strides = array<i32>} : memref<16x128xf32, #tpu.memory_space<vmem>>, vector<1x16xf32>,
        %swap3A_720 = vector.shape_cast %swap3A_719 : vector<1x16xf32> to vector<16xf32>
        %swap3A_721 = vector.shape_cast %add3A_716 : vector<16xf32> to vector<1x16xf32>
        tpu.vector_store %arg12[%swap3A_717, %swap3A_718], %swap3A_721 {strides = array<i32>} : memref<16x128xf32, #tpu.memory_space<vmem>>, vector<1x16xf32>,
        %broadcast_in_dim3A = arith.constant 0.000000e+00 : f32
        %broadcast_in_dim3A_722 = vector.broadcast %broadcast_in_dim3A : f32 to vector<16xf32>
        %swap3A_723 = arith.index_cast %scan3A_74 : i32 to index
        %swap3A_724 = arith.constant 96 : index
        %swap3A_725 = tpu.vector_load %arg12[%swap3A_723, %swap3A_724] {strides = array<i32>} : memref<16x128xf32, #tpu.memory_space<vmem>>, vector<1x16xf32>,
        %swap3A_726 = vector.shape_cast %swap3A_725 : vector<1x16xf32> to vector<16xf32>
        %swap3A_727 = vector.shape_cast %broadcast_in_dim3A_722 : vector<16xf32> to vector<1x16xf32>
        tpu.vector_store %arg12[%swap3A_723, %swap3A_724], %swap3A_727 {strides = array<i32>} : memref<16x128xf32, #tpu.memory_space<vmem>>, vector<1x16xf32>,
        %swap3A_728 = arith.index_cast %scan3A_74 : i32 to index
        %swap3A_729 = arith.constant 112 : index
        %swap3A_730 = tpu.vector_load %arg12[%swap3A_728, %swap3A_729] {strides = array<i32>} : memref<16x128xf32, #tpu.memory_space<vmem>>, vector<1x16xf32>,
        %swap3A_731 = vector.shape_cast %swap3A_730 : vector<1x16xf32> to vector<16xf32>
        %swap3A_732 = vector.shape_cast %broadcast_in_dim3A_722 : vector<16xf32> to vector<1x16xf32>
        tpu.vector_store %arg12[%swap3A_728, %swap3A_729], %swap3A_732 {strides = array<i32>} : memref<16x128xf32, #tpu.memory_space<vmem>>, vector<1x16xf32>,
      }
      %scan3A_59 = arith.constant 16 : i32
      %mul3A_60 = arith.constant 512 : i32
      %mul3A_61 = arith.muli %add3A, %mul3A_60 : i32
      %add3A_62 = arith.constant 1 : i32
      %add3A_63 = arith.addi %mul3A_25, %add3A_62 : i32
      %mul3A_64 = arith.constant 16 : i32
      %mul3A_65 = arith.muli %add3A_63, %mul3A_64 : i32
      %add3A_66 = arith.addi %mul3A_61, %mul3A_65 : i32
      "tpu.region"() ({
        %run_scoped3A = tpu.sem_alloc : memref<!tpu.dma_semaphore, #tpu.memory_space<semaphore_mem>>
        %dma_start3A_74 = arith.constant 0 : i32
        %dma_start3A_75 = tpu.memref_slice %arg6[%add3A_66, %dma_start3A_74] : memref<16384x128xf32, #tpu.memory_space<hbm>> -> memref<16x128xf32, #tpu.memory_space<hbm>>
        %dma_start3A_76 = arith.constant 0 : i32
        %dma_start3A_77 = tpu.memref_slice %arg6[%add3A_66, %dma_start3A_76] : memref<16384x128xf32, #tpu.memory_space<hbm>> -> memref<16x128xf32, #tpu.memory_space<hbm>>
        tpu.enqueue_dma source(%arg12 : memref<16x128xf32, #tpu.memory_space<vmem>>) target(%dma_start3A_77 : memref<16x128xf32, #tpu.memory_space<hbm>>) target_semaphore(%run_scoped3A : memref<!tpu.dma_semaphore, #tpu.memory_space<semaphore_mem>>)
        %dma_wait3A_78 = arith.constant 0 : i32
        %dma_wait3A_79 = tpu.memref_slice %arg6[%add3A_66, %dma_wait3A_78] : memref<16384x128xf32, #tpu.memory_space<hbm>> -> memref<16x128xf32, #tpu.memory_space<hbm>>
        %dma_wait3A_80 = arith.constant 0 : i32
        %dma_wait3A_81 = tpu.memref_slice %arg6[%add3A_66, %dma_wait3A_80] : memref<16384x128xf32, #tpu.memory_space<hbm>> -> memref<16x128xf32, #tpu.memory_space<hbm>>
        tpu.wait_dma2 semaphore(%run_scoped3A : memref<!tpu.dma_semaphore, #tpu.memory_space<semaphore_mem>>) src(%arg12 : memref<16x128xf32, #tpu.memory_space<vmem>>) dst(%dma_wait3A_81 : memref<16x128xf32, #tpu.memory_space<hbm>>)
        tpu.yield
      }) : () -> ()
      %add3A_67 = arith.constant 3 : i32
      %add3A_68 = arith.addi %mul3A_25, %add3A_67 : i32
      %lt3A_69 = arith.constant 32 : i32
      %lt3A_70 = arith.cmpi slt, %add3A_68, %lt3A_69 : i32
      %convert_element_type3A_71 = arith.extui %lt3A_70 : i1 to i32
      %cond3A_72 = arith.constant 0 : i32
      %cond3A_73 = arith.cmpi ne, %convert_element_type3A_71, %cond3A_72 : i32
      scf.if %cond3A_73 {
        %add3A_74 = arith.constant 3 : i32
        %add3A_75 = arith.addi %mul3A_25, %add3A_74 : i32
        %dma_start3A_76 = arith.constant 0 : i32
        %dma_start3A_77 = tpu.memref_slice %arg7[%add3A_75, %dma_start3A_76] : memref<32x128xi32, #tpu.memory_space<vmem>> -> memref<1x128xi32, #tpu.memory_space<vmem>>
        %dma_start3A_78 = tpu.memref_squeeze %dma_start3A_77 : memref<1x128xi32, #tpu.memory_space<vmem>> -> memref<128xi32, #tpu.memory_space<vmem>>
        %dma_start3A_79 = arith.constant 0 : i32
        %dma_start3A_80 = arith.constant 0 : i32
        %dma_start3A_81 = tpu.memref_slice %arg2[%dma_start3A_79, %dma_start3A_80] : memref<500000x128xi32, #tpu.memory_space<hbm>> -> memref<500000x128xi32, #tpu.memory_space<hbm>>
        tpu.enqueue_indirect_dma source(%dma_start3A_81 : memref<500000x128xi32, #tpu.memory_space<hbm>>) target(%arg10 : memref<128x128xi32, #tpu.memory_space<vmem>>) offsets(%dma_start3A_78 : memref<128xi32, #tpu.memory_space<vmem>>) semaphore(%arg14 : memref<!tpu.dma_semaphore, #tpu.memory_space<semaphore_mem>>)
      } else {
      }
    }
    %scan3A_22 = arith.constant 16 : i32
    return
  }
}

module attributes {stable_mosaic.version = 14 : i64} {
  func.func @_prep_body(%arg0: i32, %arg1: memref<64x32768xf32, #tpu.memory_space<vmem>>, %arg2: memref<64x128xf32, #tpu.memory_space<vmem>>, %arg3: memref<16384x128xi32, #tpu.memory_space<vmem>>) attributes {dimension_semantics = [#tpu.dimension_semantics<arbitrary>], iteration_bounds = array<i64: 31>, scalar_prefetch = 0 : i64, scratch_operands = 0 : i64, tpu.core_type = #tpu.core_type<tc>, window_params = [{transform_indices = @transform_0, window_bounds = array<i64: 64, 32768>}, {pipeline_mode = #tpu.pipeline_mode<synchronous>, transform_indices = @transform_1, window_bounds = array<i64: 64, 128>}, {transform_indices = @transform_2, window_bounds = array<i64: 16384, 128>}]} {
    %get3A = arith.constant 0 : index
    %get3A_0 = arith.constant 0 : index
    %get3A_1 = vector.load %arg1[%get3A, %get3A_0] : memref<64x32768xf32, #tpu.memory_space<vmem>>, vector<64x32768xf32>
    %convert_element_type3A = arith.truncf %get3A_1 : vector<64x32768xf32> to vector<64x32768xbf16>
    %get3A_2 = arith.constant 0 : index
    %get3A_3 = arith.constant 0 : index
    %get3A_4 = vector.load %arg2[%get3A_2, %get3A_3] : memref<64x128xf32, #tpu.memory_space<vmem>>, vector<64x128xf32>
    %convert_element_type3A_5 = arith.truncf %get3A_4 : vector<64x128xf32> to vector<64x128xbf16>
    %dot_general3A = arith.constant dense<0.000000e+00> : vector<32768x128xf32>
    %dot_general3A_6 = tpu.matmul %convert_element_type3A, %convert_element_type3A_5, %dot_general3A {dimension_numbers = #tpu.dot_dimension_numbers<[0], [0], [1], [1], [0, 1, 1, 1], [], []>, transpose_lhs_hint = false} : vector<64x32768xbf16>, vector<64x128xbf16>, vector<32768x128xf32> -> vector<32768x128xf32>
    %convert_element_type3A_7 = arith.truncf %dot_general3A_6 : vector<32768x128xf32> to vector<32768x128xbf16>
    %bitcast3A = tpu.bitcast %convert_element_type3A_7 : vector<32768x128xbf16> -> vector<16384x128xi32>
    %swap3A = arith.constant 0 : index
    %swap3A_8 = arith.constant 0 : index
    %swap3A_9 = vector.load %arg3[%swap3A, %swap3A_8] : memref<16384x128xi32, #tpu.memory_space<vmem>>, vector<16384x128xi32>
    tpu.vector_store %arg3[%swap3A, %swap3A_8], %bitcast3A {strides = array<i32>} : memref<16384x128xi32, #tpu.memory_space<vmem>>, vector<16384x128xi32>,
    return
  }
  func.func @transform_0(%arg0: i32) -> (i32, i32) {
    %c0_i32 = arith.constant 0 : i32
    %c0_i32_0 = arith.constant 0 : i32
    return %c0_i32, %arg0 : i32, i32
  }
  func.func @transform_1(%arg0: i32) -> (i32, i32) {
    %c0_i32 = arith.constant 0 : i32
    %c0_i32_0 = arith.constant 0 : i32
    %c0_i32_1 = arith.constant 0 : i32
    return %c0_i32, %c0_i32_0 : i32, i32
  }
  func.func @transform_2(%arg0: i32) -> (i32, i32) {
    %c0_i32 = arith.constant 0 : i32
    %c0_i32_0 = arith.constant 0 : i32
    return %arg0, %c0_i32 : i32, i32
  }
}

module attributes {stable_mosaic.version = 14 : i64} {
  func.func @_finish_body(%arg0: i32, %arg1: memref<2048x128xf32, #tpu.memory_space<vmem>>, %arg2: memref<1x1xf32, #tpu.memory_space<smem>>) attributes {dimension_semantics = [#tpu.dimension_semantics<arbitrary>], iteration_bounds = array<i64: 8>, scalar_prefetch = 0 : i64, scratch_operands = 0 : i64, tpu.core_type = #tpu.core_type<tc>, window_params = [{transform_indices = @transform_0, window_bounds = array<i64: 2048, 128>}, {transform_indices = @transform_1, window_bounds = array<i64: 1, 1>}]} {
    %eq3A = arith.constant 0 : i32
    %eq3A_0 = arith.cmpi eq, %arg0, %eq3A : i32
    %convert_element_type3A = arith.extui %eq3A_0 : i1 to i32
    %cond3A = arith.constant 0 : i32
    %cond3A_1 = arith.cmpi ne, %convert_element_type3A, %cond3A : i32
    scf.if %cond3A_1 {
      %swap3A_201 = arith.constant 0.000000e+00 : f32
      %swap3A_202 = arith.constant 0 : index
      %swap3A_203 = arith.constant 0 : index
      %swap3A_204 = memref.load %arg2[%swap3A_202, %swap3A_203] : memref<1x1xf32, #tpu.memory_space<smem>>
      memref.store %swap3A_201, %arg2[%swap3A_202, %swap3A_203] : memref<1x1xf32, #tpu.memory_space<smem>>
    } else {
    }
    %get3A = arith.constant 0 : index
    %get3A_2 = arith.constant 0 : index
    %get3A_3 = vector.load %arg1[%get3A, %get3A_2] : memref<2048x128xf32, #tpu.memory_space<vmem>>, vector<2048x128xf32>
    %iota3A = tpu.iota {dimensions = array<i32: 1>} : vector<2048x128xi32>
    %jit3A = arith.constant 16 : i32
    %div3A = vector.broadcast %jit3A : i32 to vector<2048x128xi32>
    %div3A_4 = arith.divsi %iota3A, %div3A : vector<2048x128xi32>
    %sign3A = arith.constant 0 : i32
    %sign3A_5 = vector.broadcast %sign3A : i32 to vector<2048x128xi32>
    %sign3A_6 = arith.cmpi sgt, %iota3A, %sign3A_5 : vector<2048x128xi32>
    %sign3A_7 = arith.extui %sign3A_6 : vector<2048x128xi1> to vector<2048x128xi32>
    %sign3A_8 = arith.constant 0 : i32
    %sign3A_9 = vector.broadcast %sign3A_8 : i32 to vector<2048x128xi32>
    %sign3A_10 = arith.cmpi slt, %iota3A, %sign3A_9 : vector<2048x128xi32>
    %sign3A_11 = arith.extui %sign3A_10 : vector<2048x128xi1> to vector<2048x128xi32>
    %sign3A_12 = arith.subi %sign3A_7, %sign3A_11 : vector<2048x128xi32>
    %sign3A_13 = arith.constant 0 : i32
    %sign3A_14 = arith.cmpi sgt, %jit3A, %sign3A_13 : i32
    %sign3A_15 = arith.extui %sign3A_14 : i1 to i32
    %sign3A_16 = arith.constant 0 : i32
    %sign3A_17 = arith.cmpi slt, %jit3A, %sign3A_16 : i32
    %sign3A_18 = arith.extui %sign3A_17 : i1 to i32
    %sign3A_19 = arith.subi %sign3A_15, %sign3A_18 : i32
    %ne3A = vector.broadcast %sign3A_19 : i32 to vector<2048x128xi32>
    %ne3A_20 = arith.cmpi ne, %sign3A_12, %ne3A : vector<2048x128xi32>
    %rem3A = vector.broadcast %jit3A : i32 to vector<2048x128xi32>
    %rem3A_21 = arith.remsi %iota3A, %rem3A : vector<2048x128xi32>
    %ne3A_22 = arith.constant 0 : i32
    %ne3A_23 = vector.broadcast %ne3A_22 : i32 to vector<2048x128xi32>
    %ne3A_24 = arith.cmpi ne, %rem3A_21, %ne3A_23 : vector<2048x128xi32>
    %and3A = arith.andi %ne3A_20, %ne3A_24 : vector<2048x128xi1>
    %sub3A = arith.constant 1 : i32
    %sub3A_25 = vector.broadcast %sub3A : i32 to vector<2048x128xi32>
    %sub3A_26 = arith.subi %div3A_4, %sub3A_25 : vector<2048x128xi32>
    %select_n3A = arith.select %and3A, %sub3A_26, %div3A_4 : vector<2048x128xi1>, vector<2048x128xi32>
    %eq3A_27 = arith.constant 0 : i32
    %eq3A_28 = vector.broadcast %eq3A_27 : i32 to vector<2048x128xi32>
    %eq3A_29 = arith.cmpi eq, %select_n3A, %eq3A_28 : vector<2048x128xi32>
    %jit3A_30 = arith.constant 0.000000e+00 : f32
    %broadcast_in_dim3A = vector.broadcast %jit3A_30 : f32 to vector<2048x128xf32>
    %select_n3A_31 = arith.select %eq3A_29, %get3A_3, %broadcast_in_dim3A : vector<2048x128xi1>, vector<2048x128xf32>
    %reduce_sum3A = arith.constant dense<0.000000e+00> : vector<2048xf32>
    %reduce_sum3A_32 = vector.multi_reduction <add>, %select_n3A_31, %reduce_sum3A [1] : vector<2048x128xf32> to vector<2048xf32>
    %min3A = arith.constant 0.000000e+00 : f32
    %min3A_33 = vector.broadcast %min3A : f32 to vector<2048xf32>
    %min3A_34 = arith.minimumf %reduce_sum3A_32, %min3A_33 : vector<2048xf32>
    %abs3A = math.absf %reduce_sum3A_32 : vector<2048xf32>
    %neg3A = arith.constant 0.000000e+00 : f32
    %neg3A_35 = vector.broadcast %neg3A : f32 to vector<2048xf32>
    %neg3A_36 = arith.subf %neg3A_35, %abs3A : vector<2048xf32>
    %exp3A = math.exp %neg3A_36 : vector<2048xf32>
    %add3A = arith.constant 1.000000e+00 : f32
    %add3A_37 = vector.broadcast %add3A : f32 to vector<2048xf32>
    %add3A_38 = arith.addf %add3A_37, %exp3A : vector<2048xf32>
    %log3A = math.log %add3A_38 : vector<2048xf32>
    %sub3A_39 = arith.subf %min3A_34, %log3A : vector<2048xf32>
    %reduce_sum3A_40 = vector.shape_cast %sub3A_39 : vector<2048xf32> to vector<1x2048xf32>
    %reduce_sum3A_41 = arith.constant dense<0.000000e+00> : vector<1xf32>
    %reduce_sum3A_42 = vector.multi_reduction <add>, %reduce_sum3A_40, %reduce_sum3A_41 [1] : vector<1x2048xf32> to vector<1xf32>
    %reduce_sum3A_43 = vector.shape_cast %reduce_sum3A_42 : vector<1xf32> to vector<1x1xf32>
    %reduce_sum3A_44 = vector.extract %reduce_sum3A_43[0, 0] : f32 from vector<1x1xf32>
    %eq3A_45 = arith.constant 1 : i32
    %eq3A_46 = vector.broadcast %eq3A_45 : i32 to vector<2048x128xi32>
    %eq3A_47 = arith.cmpi eq, %select_n3A, %eq3A_46 : vector<2048x128xi32>
    %jit3A_48 = arith.constant 0.000000e+00 : f32
    %broadcast_in_dim3A_49 = vector.broadcast %jit3A_48 : f32 to vector<2048x128xf32>
    %select_n3A_50 = arith.select %eq3A_47, %get3A_3, %broadcast_in_dim3A_49 : vector<2048x128xi1>, vector<2048x128xf32>
    %reduce_sum3A_51 = arith.constant dense<0.000000e+00> : vector<2048xf32>
    %reduce_sum3A_52 = vector.multi_reduction <add>, %select_n3A_50, %reduce_sum3A_51 [1] : vector<2048x128xf32> to vector<2048xf32>
    %neg3A_53 = arith.constant 0.000000e+00 : f32
    %neg3A_54 = vector.broadcast %neg3A_53 : f32 to vector<2048xf32>
    %neg3A_55 = arith.subf %neg3A_54, %reduce_sum3A_52 : vector<2048xf32>
    %min3A_56 = arith.constant 0.000000e+00 : f32
    %min3A_57 = vector.broadcast %min3A_56 : f32 to vector<2048xf32>
    %min3A_58 = arith.minimumf %neg3A_55, %min3A_57 : vector<2048xf32>
    %abs3A_59 = math.absf %neg3A_55 : vector<2048xf32>
    %neg3A_60 = arith.constant 0.000000e+00 : f32
    %neg3A_61 = vector.broadcast %neg3A_60 : f32 to vector<2048xf32>
    %neg3A_62 = arith.subf %neg3A_61, %abs3A_59 : vector<2048xf32>
    %exp3A_63 = math.exp %neg3A_62 : vector<2048xf32>
    %add3A_64 = arith.constant 1.000000e+00 : f32
    %add3A_65 = vector.broadcast %add3A_64 : f32 to vector<2048xf32>
    %add3A_66 = arith.addf %add3A_65, %exp3A_63 : vector<2048xf32>
    %log3A_67 = math.log %add3A_66 : vector<2048xf32>
    %sub3A_68 = arith.subf %min3A_58, %log3A_67 : vector<2048xf32>
    %reduce_sum3A_69 = vector.shape_cast %sub3A_68 : vector<2048xf32> to vector<1x2048xf32>
    %reduce_sum3A_70 = arith.constant dense<0.000000e+00> : vector<1xf32>
    %reduce_sum3A_71 = vector.multi_reduction <add>, %reduce_sum3A_69, %reduce_sum3A_70 [1] : vector<1x2048xf32> to vector<1xf32>
    %reduce_sum3A_72 = vector.shape_cast %reduce_sum3A_71 : vector<1xf32> to vector<1x1xf32>
    %reduce_sum3A_73 = vector.extract %reduce_sum3A_72[0, 0] : f32 from vector<1x1xf32>
    %add3A_74 = arith.addf %reduce_sum3A_44, %reduce_sum3A_73 : f32
    %eq3A_75 = arith.constant 2 : i32
    %eq3A_76 = vector.broadcast %eq3A_75 : i32 to vector<2048x128xi32>
    %eq3A_77 = arith.cmpi eq, %select_n3A, %eq3A_76 : vector<2048x128xi32>
    %jit3A_78 = arith.constant 0.000000e+00 : f32
    %broadcast_in_dim3A_79 = vector.broadcast %jit3A_78 : f32 to vector<2048x128xf32>
    %select_n3A_80 = arith.select %eq3A_77, %get3A_3, %broadcast_in_dim3A_79 : vector<2048x128xi1>, vector<2048x128xf32>
    %reduce_sum3A_81 = arith.constant dense<0.000000e+00> : vector<2048xf32>
    %reduce_sum3A_82 = vector.multi_reduction <add>, %select_n3A_80, %reduce_sum3A_81 [1] : vector<2048x128xf32> to vector<2048xf32>
    %neg3A_83 = arith.constant 0.000000e+00 : f32
    %neg3A_84 = vector.broadcast %neg3A_83 : f32 to vector<2048xf32>
    %neg3A_85 = arith.subf %neg3A_84, %reduce_sum3A_82 : vector<2048xf32>
    %min3A_86 = arith.constant 0.000000e+00 : f32
    %min3A_87 = vector.broadcast %min3A_86 : f32 to vector<2048xf32>
    %min3A_88 = arith.minimumf %neg3A_85, %min3A_87 : vector<2048xf32>
    %abs3A_89 = math.absf %neg3A_85 : vector<2048xf32>
    %neg3A_90 = arith.constant 0.000000e+00 : f32
    %neg3A_91 = vector.broadcast %neg3A_90 : f32 to vector<2048xf32>
    %neg3A_92 = arith.subf %neg3A_91, %abs3A_89 : vector<2048xf32>
    %exp3A_93 = math.exp %neg3A_92 : vector<2048xf32>
    %add3A_94 = arith.constant 1.000000e+00 : f32
    %add3A_95 = vector.broadcast %add3A_94 : f32 to vector<2048xf32>
    %add3A_96 = arith.addf %add3A_95, %exp3A_93 : vector<2048xf32>
    %log3A_97 = math.log %add3A_96 : vector<2048xf32>
    %sub3A_98 = arith.subf %min3A_88, %log3A_97 : vector<2048xf32>
    %reduce_sum3A_99 = vector.shape_cast %sub3A_98 : vector<2048xf32> to vector<1x2048xf32>
    %reduce_sum3A_100 = arith.constant dense<0.000000e+00> : vector<1xf32>
    %reduce_sum3A_101 = vector.multi_reduction <add>, %reduce_sum3A_99, %reduce_sum3A_100 [1] : vector<1x2048xf32> to vector<1xf32>
    %reduce_sum3A_102 = vector.shape_cast %reduce_sum3A_101 : vector<1xf32> to vector<1x1xf32>
    %reduce_sum3A_103 = vector.extract %reduce_sum3A_102[0, 0] : f32 from vector<1x1xf32>
    %add3A_104 = arith.addf %add3A_74, %reduce_sum3A_103 : f32
    %eq3A_105 = arith.constant 3 : i32
    %eq3A_106 = vector.broadcast %eq3A_105 : i32 to vector<2048x128xi32>
    %eq3A_107 = arith.cmpi eq, %select_n3A, %eq3A_106 : vector<2048x128xi32>
    %jit3A_108 = arith.constant 0.000000e+00 : f32
    %broadcast_in_dim3A_109 = vector.broadcast %jit3A_108 : f32 to vector<2048x128xf32>
    %select_n3A_110 = arith.select %eq3A_107, %get3A_3, %broadcast_in_dim3A_109 : vector<2048x128xi1>, vector<2048x128xf32>
    %reduce_sum3A_111 = arith.constant dense<0.000000e+00> : vector<2048xf32>
    %reduce_sum3A_112 = vector.multi_reduction <add>, %select_n3A_110, %reduce_sum3A_111 [1] : vector<2048x128xf32> to vector<2048xf32>
    %neg3A_113 = arith.constant 0.000000e+00 : f32
    %neg3A_114 = vector.broadcast %neg3A_113 : f32 to vector<2048xf32>
    %neg3A_115 = arith.subf %neg3A_114, %reduce_sum3A_112 : vector<2048xf32>
    %min3A_116 = arith.constant 0.000000e+00 : f32
    %min3A_117 = vector.broadcast %min3A_116 : f32 to vector<2048xf32>
    %min3A_118 = arith.minimumf %neg3A_115, %min3A_117 : vector<2048xf32>
    %abs3A_119 = math.absf %neg3A_115 : vector<2048xf32>
    %neg3A_120 = arith.constant 0.000000e+00 : f32
    %neg3A_121 = vector.broadcast %neg3A_120 : f32 to vector<2048xf32>
    %neg3A_122 = arith.subf %neg3A_121, %abs3A_119 : vector<2048xf32>
    %exp3A_123 = math.exp %neg3A_122 : vector<2048xf32>
    %add3A_124 = arith.constant 1.000000e+00 : f32
    %add3A_125 = vector.broadcast %add3A_124 : f32 to vector<2048xf32>
    %add3A_126 = arith.addf %add3A_125, %exp3A_123 : vector<2048xf32>
    %log3A_127 = math.log %add3A_126 : vector<2048xf32>
    %sub3A_128 = arith.subf %min3A_118, %log3A_127 : vector<2048xf32>
    %reduce_sum3A_129 = vector.shape_cast %sub3A_128 : vector<2048xf32> to vector<1x2048xf32>
    %reduce_sum3A_130 = arith.constant dense<0.000000e+00> : vector<1xf32>
    %reduce_sum3A_131 = vector.multi_reduction <add>, %reduce_sum3A_129, %reduce_sum3A_130 [1] : vector<1x2048xf32> to vector<1xf32>
    %reduce_sum3A_132 = vector.shape_cast %reduce_sum3A_131 : vector<1xf32> to vector<1x1xf32>
    %reduce_sum3A_133 = vector.extract %reduce_sum3A_132[0, 0] : f32 from vector<1x1xf32>
    %add3A_134 = arith.addf %add3A_104, %reduce_sum3A_133 : f32
    %eq3A_135 = arith.constant 4 : i32
    %eq3A_136 = vector.broadcast %eq3A_135 : i32 to vector<2048x128xi32>
    %eq3A_137 = arith.cmpi eq, %select_n3A, %eq3A_136 : vector<2048x128xi32>
    %jit3A_138 = arith.constant 0.000000e+00 : f32
    %broadcast_in_dim3A_139 = vector.broadcast %jit3A_138 : f32 to vector<2048x128xf32>
    %select_n3A_140 = arith.select %eq3A_137, %get3A_3, %broadcast_in_dim3A_139 : vector<2048x128xi1>, vector<2048x128xf32>
    %reduce_sum3A_141 = arith.constant dense<0.000000e+00> : vector<2048xf32>
    %reduce_sum3A_142 = vector.multi_reduction <add>, %select_n3A_140, %reduce_sum3A_141 [1] : vector<2048x128xf32> to vector<2048xf32>
    %neg3A_143 = arith.constant 0.000000e+00 : f32
    %neg3A_144 = vector.broadcast %neg3A_143 : f32 to vector<2048xf32>
    %neg3A_145 = arith.subf %neg3A_144, %reduce_sum3A_142 : vector<2048xf32>
    %min3A_146 = arith.constant 0.000000e+00 : f32
    %min3A_147 = vector.broadcast %min3A_146 : f32 to vector<2048xf32>
    %min3A_148 = arith.minimumf %neg3A_145, %min3A_147 : vector<2048xf32>
    %abs3A_149 = math.absf %neg3A_145 : vector<2048xf32>
    %neg3A_150 = arith.constant 0.000000e+00 : f32
    %neg3A_151 = vector.broadcast %neg3A_150 : f32 to vector<2048xf32>
    %neg3A_152 = arith.subf %neg3A_151, %abs3A_149 : vector<2048xf32>
    %exp3A_153 = math.exp %neg3A_152 : vector<2048xf32>
    %add3A_154 = arith.constant 1.000000e+00 : f32
    %add3A_155 = vector.broadcast %add3A_154 : f32 to vector<2048xf32>
    %add3A_156 = arith.addf %add3A_155, %exp3A_153 : vector<2048xf32>
    %log3A_157 = math.log %add3A_156 : vector<2048xf32>
    %sub3A_158 = arith.subf %min3A_148, %log3A_157 : vector<2048xf32>
    %reduce_sum3A_159 = vector.shape_cast %sub3A_158 : vector<2048xf32> to vector<1x2048xf32>
    %reduce_sum3A_160 = arith.constant dense<0.000000e+00> : vector<1xf32>
    %reduce_sum3A_161 = vector.multi_reduction <add>, %reduce_sum3A_159, %reduce_sum3A_160 [1] : vector<1x2048xf32> to vector<1xf32>
    %reduce_sum3A_162 = vector.shape_cast %reduce_sum3A_161 : vector<1xf32> to vector<1x1xf32>
    %reduce_sum3A_163 = vector.extract %reduce_sum3A_162[0, 0] : f32 from vector<1x1xf32>
    %add3A_164 = arith.addf %add3A_134, %reduce_sum3A_163 : f32
    %eq3A_165 = arith.constant 5 : i32
    %eq3A_166 = vector.broadcast %eq3A_165 : i32 to vector<2048x128xi32>
    %eq3A_167 = arith.cmpi eq, %select_n3A, %eq3A_166 : vector<2048x128xi32>
    %jit3A_168 = arith.constant 0.000000e+00 : f32
    %broadcast_in_dim3A_169 = vector.broadcast %jit3A_168 : f32 to vector<2048x128xf32>
    %select_n3A_170 = arith.select %eq3A_167, %get3A_3, %broadcast_in_dim3A_169 : vector<2048x128xi1>, vector<2048x128xf32>
    %reduce_sum3A_171 = arith.constant dense<0.000000e+00> : vector<2048xf32>
    %reduce_sum3A_172 = vector.multi_reduction <add>, %select_n3A_170, %reduce_sum3A_171 [1] : vector<2048x128xf32> to vector<2048xf32>
    %neg3A_173 = arith.constant 0.000000e+00 : f32
    %neg3A_174 = vector.broadcast %neg3A_173 : f32 to vector<2048xf32>
    %neg3A_175 = arith.subf %neg3A_174, %reduce_sum3A_172 : vector<2048xf32>
    %min3A_176 = arith.constant 0.000000e+00 : f32
    %min3A_177 = vector.broadcast %min3A_176 : f32 to vector<2048xf32>
    %min3A_178 = arith.minimumf %neg3A_175, %min3A_177 : vector<2048xf32>
    %abs3A_179 = math.absf %neg3A_175 : vector<2048xf32>
    %neg3A_180 = arith.constant 0.000000e+00 : f32
    %neg3A_181 = vector.broadcast %neg3A_180 : f32 to vector<2048xf32>
    %neg3A_182 = arith.subf %neg3A_181, %abs3A_179 : vector<2048xf32>
    %exp3A_183 = math.exp %neg3A_182 : vector<2048xf32>
    %add3A_184 = arith.constant 1.000000e+00 : f32
    %add3A_185 = vector.broadcast %add3A_184 : f32 to vector<2048xf32>
    %add3A_186 = arith.addf %add3A_185, %exp3A_183 : vector<2048xf32>
    %log3A_187 = math.log %add3A_186 : vector<2048xf32>
    %sub3A_188 = arith.subf %min3A_178, %log3A_187 : vector<2048xf32>
    %reduce_sum3A_189 = vector.shape_cast %sub3A_188 : vector<2048xf32> to vector<1x2048xf32>
    %reduce_sum3A_190 = arith.constant dense<0.000000e+00> : vector<1xf32>
    %reduce_sum3A_191 = vector.multi_reduction <add>, %reduce_sum3A_189, %reduce_sum3A_190 [1] : vector<1x2048xf32> to vector<1xf32>
    %reduce_sum3A_192 = vector.shape_cast %reduce_sum3A_191 : vector<1xf32> to vector<1x1xf32>
    %reduce_sum3A_193 = vector.extract %reduce_sum3A_192[0, 0] : f32 from vector<1x1xf32>
    %add3A_194 = arith.addf %add3A_164, %reduce_sum3A_193 : f32
    %get3A_195 = arith.constant 0 : index
    %get3A_196 = arith.constant 0 : index
    %get3A_197 = memref.load %arg2[%get3A_195, %get3A_196] : memref<1x1xf32, #tpu.memory_space<smem>>
    %add3A_198 = arith.addf %get3A_197, %add3A_194 : f32
    %swap3A = arith.constant 0 : index
    %swap3A_199 = arith.constant 0 : index
    %swap3A_200 = memref.load %arg2[%swap3A, %swap3A_199] : memref<1x1xf32, #tpu.memory_space<smem>>
    memref.store %add3A_198, %arg2[%swap3A, %swap3A_199] : memref<1x1xf32, #tpu.memory_space<smem>>
    return
  }
  func.func @transform_0(%arg0: i32) -> (i32, i32) {
    %c0_i32 = arith.constant 0 : i32
    %c0_i32_0 = arith.constant 0 : i32
    return %arg0, %c0_i32 : i32, i32
  }
  func.func @transform_1(%arg0: i32) -> (i32, i32) {
    %c0_i32 = arith.constant 0 : i32
    %c0_i32_0 = arith.constant 0 : i32
    %c0_i32_1 = arith.constant 0 : i32
    return %c0_i32, %c0_i32_0 : i32, i32
  }
}

</mosaic_0001>

<sc_bundles>
// kernel: kernel.5.cloned.1.call-start
scs
__scs_entry_jumppad:
0x0: {  	(pc) =	sbr.rel $0x88, $3  }
0x1: {  	(tag) =	ssettag $0x0;
	lr =	simm.s32 $0x1  }
0x2: {  	[smem:$0x3F9A] =	sst lr;
	_ =	strace $0xD0000000  }
0x3: {  	_ = 	snop  }
0x4: {  	_ = 	snop  }
0x5: {  	_ = 	snop  }
0x6: {  	_ = 	snop  }
0x7: {  	_ = 	snop  }
__scs_overlays_trampoline_lowered:
0x8: {  	[smem:$0x3FA9] =	sst s0  }
0x9: {  	[smem:$0x3FAA] =	sst s1  }
0xa: {  	[smem:$0x3FAB] =	sst s2  }
0xb: {  	[smem:$0x3FAC] =	sst s3  }
0xc: {  	[smem:$0x3FAD] =	sst s4  }
0xd: {  	[smem:$0x3FAE] =	sst s5  }
0xe: {  	[smem:$0x3FAF] =	sst s6  }
0xf: {  	[smem:$0x3FB0] =	sst s7  }
0x10: {  	[smem:$0x3FB1] =	sst s8  }
0x11: {  	[smem:$0x3FB2] =	sst s9;
	s0 =	simm.s32 @!p0 $0x0  }
0x12: {  	s1 =	sld [smem:$0x3F98];
	s0 =	simm.s32 @p0 $0x1  }
0x13: {  	[smem:$0x3FB3] =	sst s0;
	s0 =	simm.s32 @!p1 $0x0  }
0x14: {  	s2 =	sld [smem:$0x3F97];
	s0 =	simm.s32 @p1 $0x1  }
0x15: {  	[smem:$0x3FB4] =	sst s0;
	s0 =	simm.s32 @!p2 $0x0  }
0x16: {  	s3 =	sld [smem:$0x3FDB];
	s0 =	simm.s32 @p2 $0x1  }
0x17: {  	s4 =	simm.s32 $0x1BF5;
	[smem:$0x3FB6] =	sst s0  }
0x18: {  	s0 =	sld [smem:$0x3F99];
	_ =	swait.ge [sflag:s4], $0x0  }
0x19: {  	s7 =	sld [smem:$0x3F9A]  }
0x1a: {  	s8 =	sadd.s32 $0xFFFFE003, lr  }
0x1b: {  	s9 =	sadd.s32 $0xFFFFFEF7, lr;
	s5 =	simm.s32 $0xFFFFFFFF;
	p2 =	slt.u32 s8, $0xFFFFF086  }
0x1c: {  	p1 =	slt.u32 s9, $0xF7A;
	s5 =	simm.s32 @!p2 $0x0  }
0x1d: {  	s5 =	simm.s32 @p1 $0x1;
	p0 =	seq.s32 s7, s2  }
0x1e: {  	s7 =	smul.u32 @!p0 $0xF7A, s2;
	p2 =	seq.s32 @!p0 s5, $0x0  }
0x1f: {  	s9 =	smul.u32 $0xF7A, s1;
	s8 =	simm.s32 @!p0 $0x1BF5;
	p2 =	por !p2, p0  }
0x20: {  	[sflag:s8] =	ssyncset.s32 @!p0 $0xFFFFF086;
	s6 =	sadd.s32 @!p0 s3, s7;
	s7 =	simm.s32 @!p0 $0x108  }
0x21: {  	s3 =	sadd.s32 s3, s9;
	s6 =	sadd.s32 @!p0 $0x88, s6;
	s7 =	simm.s32 @p2 $0x1082  }
0x22: {  	[simem:s7], [sflag:s8] =	dma.local @!p0 [hbm:s6], $0xF7A  }
0x23: {  	s9 =	sor.u32 $0xD0000000, s2;
	s6 =	simm.s32 $0x108;
	_ =	swait.ge @!p0 [sflag:s8], $0x0  }
0x24: {  	s3 =	sadd.s32 $0x88, s3;
	s6 =	simm.s32 @!p1 $0x1082;
	[sflag:s4] =	ssyncset.s32 $0xFFFFF086  }
0x25: {  	[simem:s6], [sflag:s4] =	dma.local [hbm:s3], $0xF7A  }
0x26: {  	[smem:$0x3F9A] =	sst s1;
	(tag) =	ssettag s2;
	_ =	strace s9  }
0x27: {  	s1 =	sld [smem:$0x3FAA]  }
0x28: {  	s2 =	sld [smem:$0x3FAB]  }
0x29: {  	s4 =	sld [smem:$0x3FAD]  }
0x2a: {  	p0 =	seq.s32 s5, $0x0;
	s5 =	sld [smem:$0x3FAE]  }
0x2b: {  	s6 =	sld [smem:$0x3FAF]  }
0x2c: {  	s7 =	sld [smem:$0x3FB0]  }
0x2d: {  	s3 =	simm.s32 $0x108;
	s8 =	sld [smem:$0x3FB1]  }
0x2e: {  	s3 =	simm.s32 @!p0 $0x1082;
	s9 =	sld [smem:$0x3FB2]  }
0x2f: {  	lr =	sadd.s32 s0, s3;
	s0 =	sld [smem:$0x3FA9]  }
0x30: {  	s3 =	sld [smem:$0x3FAC]  }
0x31: {  	[smem:$0x3FB5] =	sst s10  }
0x32: {  	s10 =	sld [smem:$0x3FB3];
	_ =	sdelay $0x3  }
0x33: {  	p0 =	seq.s32 s10, $0x1;
	s10 =	sld [smem:$0x3FB5];
	_ =	sdelay $0x3  }
0x34: {  	[smem:$0x3FB5] =	sst s10  }
0x35: {  	s10 =	sld [smem:$0x3FB4];
	_ =	sdelay $0x3  }
0x36: {  	p1 =	seq.s32 s10, $0x1;
	s10 =	sld [smem:$0x3FB5];
	_ =	sdelay $0x3  }
0x37: {  	[smem:$0x3FB5] =	sst s10  }
0x38: {  	s10 =	sld [smem:$0x3FB6]  }
0x39: {  	_ = 	snop;
	(pc) =	sbr.ind lr, $3  }
0x3a: {  	_ = 	snop  }
0x3b: {  	_ = 	snop  }
0x3c: {  	p2 =	seq.s32 s10, $0x1;
	s10 =	sld [smem:$0x3FB5]  }
0x3d: {  	_ =	shalt  }
0x3e: {  	_ =	shalt  }
0x3f: {  	_ =	shalt  }
0x40: {  	_ =	shalt  }
0x41: {  	_ =	shalt  }
0x42: {  	_ =	shalt  }
0x43: {  	_ =	shalt  }
0x44: {  	_ =	shalt  }
0x45: {  	_ =	shalt  }
0x46: {  	_ =	shalt  }
0x47: {  	_ =	shalt  }
0x48: {  	_ =	shalt  }
0x49: {  	_ =	shalt  }
0x4a: {  	_ =	shalt  }
0x4b: {  	_ =	shalt  }
0x4c: {  	_ =	shalt  }
0x4d: {  	_ =	shalt  }
0x4e: {  	_ =	shalt  }
0x4f: {  	_ =	shalt  }
0x50: {  	_ =	shalt  }
0x51: {  	_ =	shalt  }
0x52: {  	_ =	shalt  }
0x53: {  	_ =	shalt  }
0x54: {  	_ =	shalt  }
0x55: {  	_ =	shalt  }
0x56: {  	_ =	shalt  }
0x57: {  	_ =	shalt  }
0x58: {  	_ =	shalt  }
0x59: {  	_ =	shalt  }
0x5a: {  	_ =	shalt  }
0x5b: {  	_ =	shalt  }
0x5c: {  	_ =	shalt  }
0x5d: {  	_ =	shalt  }
0x5e: {  	_ =	shalt  }
0x5f: {  	_ =	shalt  }
0x60: {  	_ =	shalt  }
0x61: {  	_ =	shalt  }
0x62: {  	_ =	shalt  }
0x63: {  	_ =	shalt  }
0x64: {  	_ =	shalt  }
0x65: {  	_ =	shalt  }
0x66: {  	_ =	shalt  }
0x67: {  	_ =	shalt  }
0x68: {  	_ =	shalt  }
0x69: {  	_ =	shalt  }
0x6a: {  	_ =	shalt  }
0x6b: {  	_ =	shalt  }
0x6c: {  	_ =	shalt  }
0x6d: {  	_ =	shalt  }
0x6e: {  	_ =	shalt  }
0x6f: {  	_ =	shalt  }
0x70: {  	_ =	shalt  }
0x71: {  	_ =	shalt  }
0x72: {  	_ =	shalt  }
0x73: {  	_ =	shalt  }
0x74: {  	_ =	shalt  }
0x75: {  	_ =	shalt  }
0x76: {  	_ =	shalt  }
0x77: {  	_ =	shalt  }
0x78: {  	_ =	shalt  }
0x79: {  	_ =	shalt  }
0x7a: {  	_ =	shalt  }
0x7b: {  	_ =	shalt  }
0x7c: {  	_ =	shalt  }
0x7d: {  	_ =	shalt  }
0x7e: {  	_ =	shalt  }
0x7f: {  	_ =	shalt  }
0x80: {  	_ =	shalt  }
0x81: {  	_ =	shalt  }
0x82: {  	_ =	shalt  }
0x83: {  	_ =	shalt  }
0x84: {  	_ =	shalt  }
0x85: {  	_ =	shalt  }
0x86: {  	_ =	shalt  }
0x87: {  	_ =	shalt  }
.Lfunc_end0:
.L_simem_size_0:
called_computation_lowered:
.L_overlay_start_0:
0x88: {  	s2 =	sld [smem:$0x3FD9]  }
0x89: {  	s3 =	sld [smem:$0x3FFE];
	_ =	sdelay $0x1  }
0x8a: {  	s1 =	srdreg.scid  }
0x8b: {  	s0 =	sand.u32 $0x1, s1  }
0x8c: {  	s17 =	sshll.u32 s0, $0xA;
	s2 =	sadd.s32 s3, s2  }
0x8d: {  	s2 =	sadd.s32 s2, s17  }
0x8e: {  	[smem:$0x3FC1] =	sst s2  }
0x8f: {  	_ = 	snop  }
0x90: {  	s2 =	sld [smem:$0x3FC3];
	(tm) =	ssettm $0x1  }
0x91: {  	s18 =	sld [smem:$0x3FFB];
	_ =	sdelay $0x3  }
0x92: {  	_ =	strace s18  }
0x93: {  	s3 =	sld [smem:$0x3FFC];
	_ =	sdelay $0x3  }
0x94: {  	_ =	strace s3  }
0x95: {  	s3 =	sld [smem:$0x3FFD];
	_ =	sdelay $0x3  }
0x96: {  	_ =	strace s3  }
0x97: {  	_ =	strace $0x8FFFFFFF  }
0x98: {  	s19 =	sld [smem:$0x3FDB];
	_ =	sdelay $0x1  }
0x99: {  	s4 =	simm.s32 $_scs_section_size  }
0x9a: {  	s5 =	simm.s32 $_size__tile_overlayer_lowered;
	s6 =	simm.s32 $_tile_overlayer_lowered  }
0x9b: {  	s22 =	simm.s32 $0x1BFF;
	s21 =	sshll.u32 s6, $0x1;
	s3 =	sadd.s32 s4, s19  }
0x9c: {  	s7 =	simm.s32 $0x0;
	s20 =	sshll.u32 s5, $0x1;
	s5 =	sadd.s32 s21, s3  }
0x9d: {  	[timem:s7], [sflag:s22] =	dma.local [hbm:s5], s20  }
0x9e: {  	_ =	swait.ge [sflag:s22], s20  }
0x9f: {  	s4 =	ssub.s32 $0x0, s20;
	[sflag:s22] =	ssyncset.done $0x0  }
0xa0: {  	[sflag:s22] =	ssyncadd.s32 s4;
	_ =	sdelay $0x1  }
0xa1: {  	s23 =	simm.s32 $0x1B8B  }
0xa2: {  	_ =	swait.ge [sflag:s23], $0x1  }
0xa3: {  	[sflag:s23] =	ssyncset.done $0x0  }
0xa4: {  	s25 =	simm.s32 $0x1B8E;
	s24 =	sld [smem:$0x3FFE];
	[sflag:s23] =	ssyncadd.s32 $0xFFFFFFFF  }
0xa5: {  	s26 =	simm.s32 $execute0_lowered;
	[smem:$0x3FD2] =	sst s25  }
0xa6: {  	s5 =	sshll.u32 s26, $0x1;
	_ =	strace $0x80000046;
	[dreg:$0x1] =	wrdreg $0xFFFFFFFF  }
0xa7: {  	s28 =	simm.s32 $_size_execute0_lowered;
	s3 =	sadd.s32 s3, s5;
	[dreg:$0x0] =	wrdreg $0x0  }
0xa8: {  	s5 =	sshll.u32 s28, $0x1;
	[dreg:$0x2] =	wrdreg s3  }
0xa9: {  	[dreg:$0x3] =	wrdreg s5  }
0xaa: {  	[dreg:$0x4] =	wrdreg $0xC0  }
0xab: {  	_ =	task [dreg:s7], $0x5FFFF  }
0xac: {  	[dreg:$0x1] =	wrdreg $0xFFFFFFFF  }
0xad: {  	[dreg:$0x0] =	wrdreg $0x60  }
0xae: {  	[dreg:$0x2] =	wrdreg s24  }
0xaf: {  	[dreg:$0x3] =	wrdreg s2  }
0xb0: {  	[dreg:$0x4] =	wrdreg $0x9  }
0xb1: {  	_ =	task.clear_ibuf [dreg:s7], $0x5FFFF;
	_ =	strace $0x90000046  }
0xb2: {  	s29 =	simm.s32 $0x9;
	_ =	strace $0x80000048  }
0xb3: {  	_ =	swait.ge [sflag:s29], $0x1  }
0xb4: {  	[sflag:s29] =	ssyncadd.s32 $0xFFFFFFFF  }
0xb5: {  	_ =	strace $0x90000048  }
0xb6: {  	_ =	sfence  }
0xb7: {  	s30 =	sld [smem:$0x0];
	_ =	sdelay $0x2  }
0xb8: {  	s31 =	sshll.u32 s1, $0xD;
	s1 =	sshrl.u32 s1, $0x2  }
0xb9: {  	s3 =	sand.u32 $0x4000, s31;
	s1 =	sadd.s32 s1, s30  }
0xba: {  	s0 =	sor.u32 s3, s0;
	s1 =	sshll.u32 s1, $0x11  }
0xbb: {  	s0 =	sor.u32 s1, s0  }
0xbc: {  	s0 =	sadd.s32 $0x8F2B, s0  }
0xbd: {  	[sflag:s0] =	ssyncadd.remote.s32 $0x1  }
0xbe: {  	_ =	sfence.sel $0xFFFF  }
0xbf: {  	[dreg:$0x0] =	wrdreg $0xFFFFFFFF;
	(pc) =	sbr.abs _section_cstart, $3  }
0xc0: {  	[dreg:$0x1] =	wrdreg $0xFFFFFFFF  }
0xc1: {  	_ =	task.clear_ibuf [dreg:s7], $0x2FFFF;
	_ =	strace $0x9FFFFFFF  }
0xc2: {  	(tm) =	ssettm $0x7FFFFFFF  }
0xc3: {  	_ =	shalt  }
tec
execute0_lowered:
.L_overlay_start_1:
0x0: {  	(tag) =	ssettag $0x1  }
0x1: {  	s5 =	rddreg [dreg:$0x0]  }
0x2: {  	s2 =	rddreg [dreg:$0x1]  }
0x3: {  	s0 =	rddreg [dreg:$0x2];
	s3 =	simm.s32 $0x0  }
0x4: {  	s4 =	srdreg.scid;
	s1 =	stileid.u32;
	s10 =	simm.s32 $0x1000  }
0x5: {  	s11 =	simm.s32 $0x19000;
	s12 =	simm.s32 $0x80;
	s13 =	simm.s32 $0x11000  }
0x6: {  	s14 =	simm.s32 $0x15000;
	s15 =	simm.s32 $0x1;
	s16 =	simm.s32 $0x19080  }
0x7: {  	s17 =	simm.s32 $0x2;
	s18 =	simm.s32 $0x0;
	[smem:$0x7FF] =	sst s3  }
0x8: {  	s6 =	sand.u32 $0x1, s4;
	s7 =	sshll.u32 s1, $0x1;
	s4 =	sadd.s32 $0x44800, s5  }
.Ltmp0:
0x9: {  	_ =	strace $0x80000047;
	s7 =	sor.u32 s6, s7;
	(pc) =	sbr.rel .LBB2_1-.Ltmp0, $4  }
0xa: {  	s6 =	ssub.s32 $0x2, s6;
	s8 =	sshll.u32 s7, $0x9;
	s7 =	sshll.u32 s7, $0xD  }
0xb: {  	s31 =	sshrl.u32 s6, $0x1;
	s8 =	sadd.s32 s8, s5;
	s7 =	sadd.s32 s7, s5  }
0xc: {  	s9 =	ssub.s32 s6, s31;
	s5 =	sadd.s32 $0x40800, s8;
	s6 =	sadd.s32 $0x800, s7  }
0xd: {  	v0 =	vimm.f32 $0.0e+00;
	s7 =	sadd.s32 $0x7E5A00, s7;
	s8 =	smax.u32 s9, $0x1;
	s9 =	simm.s32 $0x3  }
.LBB2_8:
0xe: {  	s18 =	sadd.s32 $0x1, s18  }
0xf: {  	p0 =	sne.s32 s18, s8  }
.Ltmp1:
0x10: {  	_ = 	snop;
	(pc) =	sbr.rel @!p0 .LBB2_9-.Ltmp1, $1  }
0x11: {  	_ =	sdelay $0x3  }
.LBB2_1:
0x12: {  	[tilespmem:s3], [sflag:$0x3] =	stream.linear.gather [hbm4b:s5+s3], $0x1000, $0x38;
	[tilespmem:$0x19880] =	vst v63  }
0x13: {  	_ =	swait.ge [sflag:s9], $0x1000  }
0x14: {  	[sflag:s9] =	ssyncset.done $0x0  }
0x15: {  	[sflag:s9] =	ssyncadd.s32 $0xFFFFF000  }
0x16: {  	[tilespmem:s10], [sflag:$0x3] =	stream.linear.gather [hbm4b:s6+s3], $0x10000, $0x38;
	[tilespmem:$0x19880] =	vst v63  }
0x17: {  	_ =	swait.ge [sflag:s9], $0x10000  }
0x18: {  	[sflag:s9] =	ssyncset.done $0x0  }
0x19: {  	[sflag:s9] =	ssyncadd.s32 $0xFFFF0000  }
0x1a: {  	[tilespmem:s11], [sflag:$0x3] =	stream.linear.gather [hbm4b:s2+s3], $0x80, $0x38;
	[tilespmem:$0x19880] =	vst v63  }
0x1b: {  	_ =	swait.ge [sflag:s9], $0x80  }
0x1c: {  	[sflag:s9] =	ssyncset.done $0x0  }
0x1d: {  	[sflag:s9] =	ssyncadd.s32 $0xFFFFFF80  }
0x1e: {  	[tilespmem:s13], [sflag:$0x1] =	stream.indirect.gather [hbm4b:s4+s12], $0x80, s3, s12, $0xb8;
	[tilespmem:$0x19880] =	vst v63  }
0x1f: {  	s19 =	simm.s32 $0x1040;
	s20 =	simm.s32 $0x1870;
	s21 =	simm.s32 $0x0  }
0x20: {  	[tilespmem:s14], [sflag:$0x2] =	stream.indirect.gather [hbm4b:s4+s12], $0x80, s12, s12, $0xb8;
	[tilespmem:$0x19880] =	vst v63  }
.LBB2_2:
0x21: {  	_ =	swait.ge [sflag:s15], $0x4000  }
0x22: {  	[sflag:s15] =	ssyncset.done $0x0  }
0x23: {  	s22 =	simm.s32 $0x0;
	s23 =	simm.s32 $0x11200;
	v1 =	vmov s19;
	[sflag:s15] =	ssyncadd.s32 $0xFFFFC000  }
.LBB2_3:
0x24: {  	v4 =	vld [tilespmem:s23+$0xFFFFFE40]  }
0x25: {  	v5 =	vld [tilespmem:s23+$0xFFFFFEC0]  }
0x26: {  	v6 =	vld [tilespmem:s23+$0xFFFFFE50]  }
0x27: {  	v7 =	vld [tilespmem:s23+$0xFFFFFED0]  }
0x28: {  	v10 =	vld [tilespmem:s23+$0xFFFFFE60]  }
0x29: {  	v33 =	vld [tilespmem:s23+$0xFFFFFEE0]  }
0x2a: {  	v12 =	vld [tilespmem:s23+$0xFFFFFE70]  }
0x2b: {  	v36 =	vld [tilespmem:s23+$0xFFFFFEF0]  }
0x2c: {  	v38 =	vld [tilespmem:s23+$0xFFFFFF00]  }
0x2d: {  	v41 =	vld [tilespmem:s23+$0xFFFFFF10]  }
0x2e: {  	s24 =	sshra.s32 s22, $0x2;
	v47 =	vld [tilespmem:s23+$0xFFFFFF20]  }
0x2f: {  	v2 =	vld.idx.msk [tilespmem:v1+s24+$0xFFFFFFC0 ss:$0x1], $0xffff;
	v9 =	vand.u32 $0xFFFF0000, v5;
	v5 =	vshll.u32 v5, $0x10  }
0x30: {  	v3 =	vld.idx.msk [tilespmem:v1+s24+$0xFFFFFFD0 ss:$0x1], $0xffff;
	v32 =	vand.u32 $0xFFFF0000, v6;
	v6 =	vshll.u32 v6, $0x10;
	v11 =	vand.u32 $0xFFFF0000, v7  }
0x31: {  	v7 =	vshll.u32 v7, $0x10;
	v39 =	vand.u32 $0xFFFF0000, v10;
	v40 =	vshll.u32 v10, $0x10  }
0x32: {  	v42 =	vand.u32 $0xFFFF0000, v33;
	v44 =	vand.u32 $0xFFFF0000, v12;
	v12 =	vshll.u32 v12, $0x10  }
0x33: {  	v37 =	vld.idx.msk [tilespmem:v1+s24+$0xFFFFFFE0 ss:$0x1], $0xffff;
	v46 =	vand.u32 $0xFFFF0000, v36;
	v48 =	vand.u32 $0xFFFF0000, v38;
	v14 =	vand.u32 $0xFFFF0000, v41  }
0x34: {  	v8 =	vld [tilespmem:$0x19000];
	v10 =	vshll.u32 v41, $0x10;
	v51 =	vand.u32 $0xFFFF0000, v47;
	vm1 =	veq.s32 v2, $0x0  }
0x35: {  	vm0 =	veq.s32 v3, $0x0;
	v2 =	vand.u32 $0xFFFF0000, v4;
	v3 =	vld [tilespmem:$0x19010];
	v4 =	vshll.u32 v4, $0x10  }
0x36: {  	v52 =	vshll.u32 v47, $0x10;
	v2 =	vsel vm1, v4, v2;
	v31 =	vsel vm0, v5, v9  }
0x37: {  	v34 =	vsel vm1, v6, v32;
	v35 =	vsel vm0, v7, v11;
	v2 =	vadd.f32 v31, v2  }
0x38: {  	v43 =	vld [tilespmem:$0x19020];
	vm10 =	veq.s32 v37, $0x0;
	v9 =	vshll.u32 v33, $0x10;
	v4 =	vadd.f32 v35, v34  }
0x39: {  	v15 =	vld [tilespmem:s23+$0xFFFFFF30];
	v45 =	vsel vm1, v12, v44;
	v6 =	vshll.u32 v36, $0x10;
	v2 =	vadd.f32 v2, v8  }
0x3a: {  	v13 =	vld [tilespmem:$0x19030];
	v8 =	vsel vm0, v9, v42;
	v3 =	vadd.f32 v4, v3;
	v4 =	vsel vm1, v40, v39  }
0x3b: {  	v7 =	vshll.u32 v38, $0x10;
	v6 =	vsel vm0, v6, v46;
	v4 =	vadd.f32 v8, v4  }
0x3c: {  	v49 =	vsel vm10, v10, v14;
	v5 =	vsel vm10, v7, v48;
	v6 =	vadd.f32 v6, v45  }
0x3d: {  	v50 =	vmul.f32 v5, v2;
	v7 =	vmul.f32 v49, v3;
	v5 =	vadd.f32 v4, v43  }
0x3e: {  	v55 =	vand.u32 $0xFFFF0000, v15;
	v56 =	vshll.u32 v15, $0x10;
	v54 =	vsel vm10, v52, v51  }
0x3f: {  	v4 =	vadd.f32 v6, v13;
	v53 =	vadd.f32 v7, v50;
	v7 =	vmul.f32 v54, v5  }
0x40: {  	v8 =	vsel vm10, v56, v55  }
0x41: {  	v57 =	vmul.f32 v8, v4;
	v6 =	vadd.f32 v7, v53;
	_ =	sdelay $0x1  }
0x42: {  	v6 =	vadd.f32 v57, v6;
	_ =	sdelay $0x1  }
0x43: {  	[tilespmem:s24+$0x19080] =	vst v6  }
0x44: {  	v6 =	vld.idx.msk [tilespmem:v1+s24+$0xFFFFFFF0 ss:$0x1], $0xffff  }
0x45: {  	v58 =	vld [tilespmem:s23+$0xFFFFFF80]  }
0x46: {  	v59 =	vld [tilespmem:s23+$0xFFFFFF90]  }
0x47: {  	v60 =	vld [tilespmem:s23+$0xFFFFFFA0];
	_ =	sdelay $0x1  }
0x48: {  	v63 =	vld [tilespmem:s23+$0xFFFFFFB0]  }
0x49: {  	vm11 =	veq.s32 v6, $0x0;
	v61 =	vand.u32 $0xFFFF0000, v58  }
0x4a: {  	v7 =	vshll.u32 v58, $0x10;
	v62 =	vand.u32 $0xFFFF0000, v59;
	v8 =	vshll.u32 v59, $0x10  }
0x4b: {  	v12 =	vand.u32 $0xFFFF0000, v60;
	v6 =	vsel vm11, v7, v61;
	v10 =	vsel vm11, v8, v62  }
0x4c: {  	v9 =	vshll.u32 v60, $0x10;
	v6 =	vmul.f32 v6, v2;
	v7 =	vmul.f32 v10, v3  }
0x4d: {  	v14 =	vand.u32 $0xFFFF0000, v63;
	v13 =	vsel vm11, v9, v12  }
0x4e: {  	v15 =	vshll.u32 v63, $0x10;
	v6 =	vadd.f32 v7, v6;
	v7 =	vmul.f32 v13, v5  }
0x4f: {  	v8 =	vsel vm11, v15, v14  }
0x50: {  	v16 =	vmul.f32 v8, v4;
	v6 =	vadd.f32 v7, v6;
	_ =	sdelay $0x1  }
0x51: {  	v6 =	vadd.f32 v16, v6;
	_ =	sdelay $0x1  }
0x52: {  	[tilespmem:s24+$0x19090] =	vst v6  }
0x53: {  	v6 =	vld.idx.msk [tilespmem:v1+s24+$0x0 ss:$0x1], $0xffff  }
0x54: {  	v17 =	vld [tilespmem:s23+$0x0]  }
0x55: {  	v18 =	vld [tilespmem:s23+$0x10]  }
0x56: {  	v19 =	vld [tilespmem:s23+$0x20];
	_ =	sdelay $0x1  }
0x57: {  	v22 =	vld [tilespmem:s23+$0x30]  }
0x58: {  	vm12 =	veq.s32 v6, $0x0;
	v20 =	vand.u32 $0xFFFF0000, v17  }
0x59: {  	v7 =	vshll.u32 v17, $0x10;
	v21 =	vand.u32 $0xFFFF0000, v18;
	v8 =	vshll.u32 v18, $0x10  }
0x5a: {  	v24 =	vand.u32 $0xFFFF0000, v19;
	v6 =	vsel vm12, v7, v20;
	v23 =	vsel vm12, v8, v21  }
0x5b: {  	v9 =	vshll.u32 v19, $0x10;
	v6 =	vmul.f32 v6, v2;
	v7 =	vmul.f32 v23, v3  }
0x5c: {  	v26 =	vand.u32 $0xFFFF0000, v22;
	v25 =	vsel vm12, v9, v24  }
0x5d: {  	v27 =	vshll.u32 v22, $0x10;
	v6 =	vadd.f32 v7, v6;
	v7 =	vmul.f32 v25, v5  }
0x5e: {  	v8 =	vsel vm12, v27, v26  }
0x5f: {  	v28 =	vmul.f32 v8, v4;
	v6 =	vadd.f32 v7, v6;
	_ =	sdelay $0x1  }
0x60: {  	v6 =	vadd.f32 v28, v6;
	_ =	sdelay $0x1  }
0x61: {  	[tilespmem:s24+$0x190A0] =	vst v6  }
0x62: {  	v6 =	vld.idx.msk [tilespmem:v1+s24+$0x10 ss:$0x1], $0xffff  }
0x63: {  	v29 =	vld [tilespmem:s23+$0x80]  }
0x64: {  	v30 =	vld [tilespmem:s23+$0x90]  }
0x65: {  	v31 =	vld [tilespmem:s23+$0xA0];
	_ =	sdelay $0x1  }
0x66: {  	v34 =	vld [tilespmem:s23+$0xB0]  }
0x67: {  	vm13 =	veq.s32 v6, $0x0;
	v32 =	vand.u32 $0xFFFF0000, v29  }
0x68: {  	v7 =	vshll.u32 v29, $0x10;
	v33 =	vand.u32 $0xFFFF0000, v30;
	v8 =	vshll.u32 v30, $0x10  }
0x69: {  	v36 =	vand.u32 $0xFFFF0000, v31;
	v6 =	vsel vm13, v7, v32;
	v35 =	vsel vm13, v8, v33  }
0x6a: {  	v9 =	vshll.u32 v31, $0x10;
	v6 =	vmul.f32 v6, v2;
	v7 =	vmul.f32 v35, v3  }
0x6b: {  	v38 =	vand.u32 $0xFFFF0000, v34;
	v37 =	vsel vm13, v9, v36  }
0x6c: {  	v39 =	vshll.u32 v34, $0x10;
	v6 =	vadd.f32 v7, v6;
	v7 =	vmul.f32 v37, v5  }
0x6d: {  	v8 =	vsel vm13, v39, v38  }
0x6e: {  	v40 =	vmul.f32 v8, v4;
	v6 =	vadd.f32 v7, v6;
	_ =	sdelay $0x1  }
0x6f: {  	v6 =	vadd.f32 v40, v6;
	_ =	sdelay $0x1  }
0x70: {  	[tilespmem:s24+$0x190B0] =	vst v6  }
0x71: {  	v6 =	vld.idx.msk [tilespmem:v1+s24+$0x20 ss:$0x1], $0xffff  }
0x72: {  	v41 =	vld [tilespmem:s23+$0x100]  }
0x73: {  	v42 =	vld [tilespmem:s23+$0x110]  }
0x74: {  	v43 =	vld [tilespmem:s23+$0x120];
	_ =	sdelay $0x1  }
0x75: {  	v46 =	vld [tilespmem:s23+$0x130]  }
0x76: {  	vm14 =	veq.s32 v6, $0x0;
	v44 =	vand.u32 $0xFFFF0000, v41  }
0x77: {  	v7 =	vshll.u32 v41, $0x10;
	v45 =	vand.u32 $0xFFFF0000, v42;
	v8 =	vshll.u32 v42, $0x10  }
0x78: {  	v48 =	vand.u32 $0xFFFF0000, v43;
	v6 =	vsel vm14, v7, v44;
	v47 =	vsel vm14, v8, v45  }
0x79: {  	v9 =	vshll.u32 v43, $0x10;
	v6 =	vmul.f32 v6, v2;
	v7 =	vmul.f32 v47, v3  }
0x7a: {  	v50 =	vand.u32 $0xFFFF0000, v46;
	v49 =	vsel vm14, v9, v48  }
0x7b: {  	v51 =	vshll.u32 v46, $0x10;
	v6 =	vadd.f32 v7, v6;
	v7 =	vmul.f32 v49, v5  }
0x7c: {  	v8 =	vsel vm14, v51, v50  }
0x7d: {  	v52 =	vmul.f32 v8, v4;
	v6 =	vadd.f32 v7, v6;
	_ =	sdelay $0x1  }
0x7e: {  	v6 =	vadd.f32 v52, v6;
	_ =	sdelay $0x1  }
0x7f: {  	[tilespmem:s24+$0x190C0] =	vst v6  }
0x80: {  	v6 =	vld.idx.msk [tilespmem:v1+s24+$0x30 ss:$0x1], $0xffff  }
0x81: {  	v53 =	vld [tilespmem:s23+$0x180]  }
0x82: {  	v54 =	vld [tilespmem:s23+$0x190];
	_ =	sdelay $0x2  }
0x83: {  	v55 =	vld [tilespmem:s23+$0x1A0]  }
0x84: {  	vm15 =	veq.s32 v6, $0x0;
	v56 =	vand.u32 $0xFFFF0000, v53  }
0x85: {  	v58 =	vld [tilespmem:s23+$0x1B0];
	v7 =	vshll.u32 v53, $0x10;
	v57 =	vand.u32 $0xFFFF0000, v54;
	v8 =	vshll.u32 v54, $0x10  }
0x86: {  	v6 =	vsel vm15, v7, v56;
	v59 =	vsel vm15, v8, v57  }
0x87: {  	v2 =	vmul.f32 v6, v2;
	v3 =	vmul.f32 v59, v3  }
0x88: {  	v60 =	vand.u32 $0xFFFF0000, v55;
	v61 =	vshll.u32 v55, $0x10  }
0x89: {  	v2 =	vadd.f32 v3, v2;
	v3 =	vsel vm15, v61, v60  }
0x8a: {  	v62 =	vand.u32 $0xFFFF0000, v58;
	v63 =	vshll.u32 v58, $0x10;
	v3 =	vmul.f32 v3, v5  }
0x8b: {  	p0 =	sne.s32 s22, $0x1E00;
	v5 =	vsel vm15, v63, v62  }
.Ltmp2:
0x8c: {  	v2 =	vadd.f32 v3, v2;
	v3 =	vmul.f32 v5, v4;
	(pc) =	sbr.rel @p0 .LBB2_3-.Ltmp2, $4  }
0x8d: {  	_ = 	snop  }
0x8e: {  	[tilespmem:s24+$0x190E0] =	vst v0;
	v2 =	vadd.f32 v3, v2  }
0x8f: {  	[tilespmem:s24+$0x190F0] =	vst v0  }
0x90: {  	s22 =	sadd.s32 $0x200, s22;
	s23 =	sadd.s32 $0x400, s23;
	[tilespmem:s24+$0x190D0] =	vst v2  }
0x91: {  	s22 =	sshll.u32 s21, $0x9  }
0x92: {  	p0 =	seq.s32 s21, $0xF;
	s22 =	sadd.s32 s22, s7  }
0x93: {  	[hbm4b:s22+s3] =	stream.linear.scatter [tilespmem:s16], [sflag:$0x3], $0x800, $0x38;
	[tilespmem:$0x19880] =	vst v63  }
0x94: {  	s22 =	sshll.u32 @!p0 s21, $0x8;
	_ =	swait.ge [sflag:s9], $0x800  }
0x95: {  	s23 =	simm.s32 @!p0 $0x80;
	s22 =	sand.u32 @!p0 $0x3FFFFF00, s22;
	[sflag:s9] =	ssyncset.done $0x0  }
0x96: {  	s24 =	simm.s32 @!p0 $0x11000;
	s22 =	sadd.s32 @!p0 $0x100, s22;
	[sflag:s9] =	ssyncadd.s32 $0xFFFFF800  }
0x97: {  	[tilespmem:s24], [sflag:$0x1] =	stream.indirect.gather @!p0 [hbm4b:s4+s23], $0x80, s22, s23, $0xb8;
	[tilespmem:$0x19880] =	vst v63  }
0x98: {  	s31 =	sshll.u32 s21, $0x1;
	_ =	swait.ge [sflag:s17], $0x4000  }
0x99: {  	s22 =	sor.u32 $0x1, s31;
	[sflag:s17] =	ssyncset.done $0x0  }
0x9a: {  	v1 =	vmov s20;
	s23 =	simm.s32 $0x0;
	s24 =	simm.s32 $0x15200;
	[sflag:s17] =	ssyncadd.s32 $0xFFFFC000  }
.LBB2_5:
0x9b: {  	v4 =	vld [tilespmem:s24+$0xFFFFFE40]  }
0x9c: {  	v5 =	vld [tilespmem:s24+$0xFFFFFEC0]  }
0x9d: {  	v6 =	vld [tilespmem:s24+$0xFFFFFE50]  }
0x9e: {  	v7 =	vld [tilespmem:s24+$0xFFFFFED0]  }
0x9f: {  	v10 =	vld [tilespmem:s24+$0xFFFFFE60]  }
0xa0: {  	v33 =	vld [tilespmem:s24+$0xFFFFFEE0]  }
0xa1: {  	v12 =	vld [tilespmem:s24+$0xFFFFFE70]  }
0xa2: {  	v36 =	vld [tilespmem:s24+$0xFFFFFEF0]  }
0xa3: {  	v38 =	vld [tilespmem:s24+$0xFFFFFF00]  }
0xa4: {  	v41 =	vld [tilespmem:s24+$0xFFFFFF10]  }
0xa5: {  	s25 =	sshra.s32 s23, $0x2;
	v47 =	vld [tilespmem:s24+$0xFFFFFF20]  }
0xa6: {  	v2 =	vld.idx.msk [tilespmem:v1+s25+$0xFFFFFF90 ss:$0x1], $0xffff;
	v9 =	vand.u32 $0xFFFF0000, v5;
	v5 =	vshll.u32 v5, $0x10  }
0xa7: {  	v3 =	vld.idx.msk [tilespmem:v1+s25+$0xFFFFFFA0 ss:$0x1], $0xffff;
	v32 =	vand.u32 $0xFFFF0000, v6;
	v6 =	vshll.u32 v6, $0x10;
	v11 =	vand.u32 $0xFFFF0000, v7  }
0xa8: {  	v7 =	vshll.u32 v7, $0x10;
	v39 =	vand.u32 $0xFFFF0000, v10;
	v40 =	vshll.u32 v10, $0x10  }
0xa9: {  	v42 =	vand.u32 $0xFFFF0000, v33;
	v44 =	vand.u32 $0xFFFF0000, v12;
	v12 =	vshll.u32 v12, $0x10  }
0xaa: {  	v37 =	vld.idx.msk [tilespmem:v1+s25+$0xFFFFFFB0 ss:$0x1], $0xffff;
	v46 =	vand.u32 $0xFFFF0000, v36;
	v48 =	vand.u32 $0xFFFF0000, v38;
	v14 =	vand.u32 $0xFFFF0000, v41  }
0xab: {  	v8 =	vld [tilespmem:$0x19000];
	v10 =	vshll.u32 v41, $0x10;
	v51 =	vand.u32 $0xFFFF0000, v47;
	vm1 =	veq.s32 v2, $0x0  }
0xac: {  	vm0 =	veq.s32 v3, $0x0;
	v2 =	vand.u32 $0xFFFF0000, v4;
	v3 =	vld [tilespmem:$0x19010];
	v4 =	vshll.u32 v4, $0x10  }
0xad: {  	v52 =	vshll.u32 v47, $0x10;
	v2 =	vsel vm1, v4, v2;
	v31 =	vsel vm0, v5, v9  }
0xae: {  	v34 =	vsel vm1, v6, v32;
	v35 =	vsel vm0, v7, v11;
	v2 =	vadd.f32 v31, v2  }
0xaf: {  	v43 =	vld [tilespmem:$0x19020];
	vm10 =	veq.s32 v37, $0x0;
	v9 =	vshll.u32 v33, $0x10;
	v4 =	vadd.f32 v35, v34  }
0xb0: {  	v15 =	vld [tilespmem:s24+$0xFFFFFF30];
	v45 =	vsel vm1, v12, v44;
	v6 =	vshll.u32 v36, $0x10;
	v2 =	vadd.f32 v2, v8  }
0xb1: {  	v13 =	vld [tilespmem:$0x19030];
	v8 =	vsel vm0, v9, v42;
	v3 =	vadd.f32 v4, v3;
	v4 =	vsel vm1, v40, v39  }
0xb2: {  	v7 =	vshll.u32 v38, $0x10;
	v6 =	vsel vm0, v6, v46;
	v4 =	vadd.f32 v8, v4  }
0xb3: {  	v49 =	vsel vm10, v10, v14;
	v5 =	vsel vm10, v7, v48;
	v6 =	vadd.f32 v6, v45  }
0xb4: {  	v50 =	vmul.f32 v5, v2;
	v7 =	vmul.f32 v49, v3;
	v5 =	vadd.f32 v4, v43  }
0xb5: {  	v55 =	vand.u32 $0xFFFF0000, v15;
	v56 =	vshll.u32 v15, $0x10;
	v54 =	vsel vm10, v52, v51  }
0xb6: {  	v4 =	vadd.f32 v6, v13;
	v53 =	vadd.f32 v7, v50;
	v7 =	vmul.f32 v54, v5  }
0xb7: {  	v8 =	vsel vm10, v56, v55  }
0xb8: {  	v57 =	vmul.f32 v8, v4;
	v6 =	vadd.f32 v7, v53;
	_ =	sdelay $0x1  }
0xb9: {  	v6 =	vadd.f32 v57, v6;
	_ =	sdelay $0x1  }
0xba: {  	[tilespmem:s25+$0x19080] =	vst v6  }
0xbb: {  	v6 =	vld.idx.msk [tilespmem:v1+s25+$0xFFFFFFC0 ss:$0x1], $0xffff  }
0xbc: {  	v58 =	vld [tilespmem:s24+$0xFFFFFF80]  }
0xbd: {  	v59 =	vld [tilespmem:s24+$0xFFFFFF90]  }
0xbe: {  	v60 =	vld [tilespmem:s24+$0xFFFFFFA0];
	_ =	sdelay $0x1  }
0xbf: {  	v63 =	vld [tilespmem:s24+$0xFFFFFFB0]  }
0xc0: {  	vm11 =	veq.s32 v6, $0x0;
	v61 =	vand.u32 $0xFFFF0000, v58  }
0xc1: {  	v7 =	vshll.u32 v58, $0x10;
	v62 =	vand.u32 $0xFFFF0000, v59;
	v8 =	vshll.u32 v59, $0x10  }
0xc2: {  	v12 =	vand.u32 $0xFFFF0000, v60;
	v6 =	vsel vm11, v7, v61;
	v10 =	vsel vm11, v8, v62  }
0xc3: {  	v9 =	vshll.u32 v60, $0x10;
	v6 =	vmul.f32 v6, v2;
	v7 =	vmul.f32 v10, v3  }
0xc4: {  	v14 =	vand.u32 $0xFFFF0000, v63;
	v13 =	vsel vm11, v9, v12  }
0xc5: {  	v15 =	vshll.u32 v63, $0x10;
	v6 =	vadd.f32 v7, v6;
	v7 =	vmul.f32 v13, v5  }
0xc6: {  	v8 =	vsel vm11, v15, v14  }
0xc7: {  	v16 =	vmul.f32 v8, v4;
	v6 =	vadd.f32 v7, v6;
	_ =	sdelay $0x1  }
0xc8: {  	v6 =	vadd.f32 v16, v6;
	_ =	sdelay $0x1  }
0xc9: {  	[tilespmem:s25+$0x19090] =	vst v6  }
0xca: {  	v6 =	vld.idx.msk [tilespmem:v1+s25+$0xFFFFFFD0 ss:$0x1], $0xffff  }
0xcb: {  	v17 =	vld [tilespmem:s24+$0x0]  }
0xcc: {  	v18 =	vld [tilespmem:s24+$0x10]  }
0xcd: {  	v19 =	vld [tilespmem:s24+$0x20];
	_ =	sdelay $0x1  }
0xce: {  	v22 =	vld [tilespmem:s24+$0x30]  }
0xcf: {  	vm12 =	veq.s32 v6, $0x0;
	v20 =	vand.u32 $0xFFFF0000, v17  }
0xd0: {  	v7 =	vshll.u32 v17, $0x10;
	v21 =	vand.u32 $0xFFFF0000, v18;
	v8 =	vshll.u32 v18, $0x10  }
0xd1: {  	v24 =	vand.u32 $0xFFFF0000, v19;
	v6 =	vsel vm12, v7, v20;
	v23 =	vsel vm12, v8, v21  }
0xd2: {  	v9 =	vshll.u32 v19, $0x10;
	v6 =	vmul.f32 v6, v2;
	v7 =	vmul.f32 v23, v3  }
0xd3: {  	v26 =	vand.u32 $0xFFFF0000, v22;
	v25 =	vsel vm12, v9, v24  }
0xd4: {  	v27 =	vshll.u32 v22, $0x10;
	v6 =	vadd.f32 v7, v6;
	v7 =	vmul.f32 v25, v5  }
0xd5: {  	v8 =	vsel vm12, v27, v26  }
0xd6: {  	v28 =	vmul.f32 v8, v4;
	v6 =	vadd.f32 v7, v6;
	_ =	sdelay $0x1  }
0xd7: {  	v6 =	vadd.f32 v28, v6;
	_ =	sdelay $0x1  }
0xd8: {  	[tilespmem:s25+$0x190A0] =	vst v6  }
0xd9: {  	v6 =	vld.idx.msk [tilespmem:v1+s25+$0xFFFFFFE0 ss:$0x1], $0xffff  }
0xda: {  	v29 =	vld [tilespmem:s24+$0x80]  }
0xdb: {  	v30 =	vld [tilespmem:s24+$0x90]  }
0xdc: {  	v31 =	vld [tilespmem:s24+$0xA0];
	_ =	sdelay $0x1  }
0xdd: {  	v34 =	vld [tilespmem:s24+$0xB0]  }
0xde: {  	vm13 =	veq.s32 v6, $0x0;
	v32 =	vand.u32 $0xFFFF0000, v29  }
0xdf: {  	v7 =	vshll.u32 v29, $0x10;
	v33 =	vand.u32 $0xFFFF0000, v30;
	v8 =	vshll.u32 v30, $0x10  }
0xe0: {  	v36 =	vand.u32 $0xFFFF0000, v31;
	v6 =	vsel vm13, v7, v32;
	v35 =	vsel vm13, v8, v33  }
0xe1: {  	v9 =	vshll.u32 v31, $0x10;
	v6 =	vmul.f32 v6, v2;
	v7 =	vmul.f32 v35, v3  }
0xe2: {  	v38 =	vand.u32 $0xFFFF0000, v34;
	v37 =	vsel vm13, v9, v36  }
0xe3: {  	v39 =	vshll.u32 v34, $0x10;
	v6 =	vadd.f32 v7, v6;
	v7 =	vmul.f32 v37, v5  }
0xe4: {  	v8 =	vsel vm13, v39, v38  }
0xe5: {  	v40 =	vmul.f32 v8, v4;
	v6 =	vadd.f32 v7, v6;
	_ =	sdelay $0x1  }
0xe6: {  	v6 =	vadd.f32 v40, v6;
	_ =	sdelay $0x1  }
0xe7: {  	[tilespmem:s25+$0x190B0] =	vst v6  }
0xe8: {  	v6 =	vld.idx.msk [tilespmem:v1+s25+$0xFFFFFFF0 ss:$0x1], $0xffff  }
0xe9: {  	v41 =	vld [tilespmem:s24+$0x100]  }
0xea: {  	v42 =	vld [tilespmem:s24+$0x110]  }
0xeb: {  	v43 =	vld [tilespmem:s24+$0x120];
	_ =	sdelay $0x1  }
0xec: {  	v46 =	vld [tilespmem:s24+$0x130]  }
0xed: {  	vm14 =	veq.s32 v6, $0x0;
	v44 =	vand.u32 $0xFFFF0000, v41  }
0xee: {  	v7 =	vshll.u32 v41, $0x10;
	v45 =	vand.u32 $0xFFFF0000, v42;
	v8 =	vshll.u32 v42, $0x10  }
0xef: {  	v48 =	vand.u32 $0xFFFF0000, v43;
	v6 =	vsel vm14, v7, v44;
	v47 =	vsel vm14, v8, v45  }
0xf0: {  	v9 =	vshll.u32 v43, $0x10;
	v6 =	vmul.f32 v6, v2;
	v7 =	vmul.f32 v47, v3  }
0xf1: {  	v50 =	vand.u32 $0xFFFF0000, v46;
	v49 =	vsel vm14, v9, v48  }
0xf2: {  	v51 =	vshll.u32 v46, $0x10;
	v6 =	vadd.f32 v7, v6;
	v7 =	vmul.f32 v49, v5  }
0xf3: {  	v8 =	vsel vm14, v51, v50  }
0xf4: {  	v52 =	vmul.f32 v8, v4;
	v6 =	vadd.f32 v7, v6;
	_ =	sdelay $0x1  }
0xf5: {  	v6 =	vadd.f32 v52, v6;
	_ =	sdelay $0x1  }
0xf6: {  	[tilespmem:s25+$0x190C0] =	vst v6  }
0xf7: {  	v6 =	vld.idx.msk [tilespmem:v1+s25+$0x0 ss:$0x1], $0xffff  }
0xf8: {  	v53 =	vld [tilespmem:s24+$0x180]  }
0xf9: {  	v54 =	vld [tilespmem:s24+$0x190];
	_ =	sdelay $0x2  }
0xfa: {  	v55 =	vld [tilespmem:s24+$0x1A0]  }
0xfb: {  	vm15 =	veq.s32 v6, $0x0;
	v56 =	vand.u32 $0xFFFF0000, v53  }
0xfc: {  	v58 =	vld [tilespmem:s24+$0x1B0];
	v7 =	vshll.u32 v53, $0x10;
	v57 =	vand.u32 $0xFFFF0000, v54;
	v8 =	vshll.u32 v54, $0x10  }
0xfd: {  	v6 =	vsel vm15, v7, v56;
	v59 =	vsel vm15, v8, v57  }
0xfe: {  	v2 =	vmul.f32 v6, v2;
	v3 =	vmul.f32 v59, v3  }
0xff: {  	v60 =	vand.u32 $0xFFFF0000, v55;
	v61 =	vshll.u32 v55, $0x10  }
0x100: {  	v2 =	vadd.f32 v3, v2;
	v3 =	vsel vm15, v61, v60  }
0x101: {  	v62 =	vand.u32 $0xFFFF0000, v58;
	v63 =	vshll.u32 v58, $0x10;
	v3 =	vmul.f32 v3, v5  }
0x102: {  	p1 =	sne.s32 s23, $0x1E00;
	v5 =	vsel vm15, v63, v62  }
.Ltmp3:
0x103: {  	v2 =	vadd.f32 v3, v2;
	v3 =	vmul.f32 v5, v4;
	(pc) =	sbr.rel @p1 .LBB2_5-.Ltmp3, $4  }
0x104: {  	_ = 	snop  }
0x105: {  	[tilespmem:s25+$0x190E0] =	vst v0;
	v2 =	vadd.f32 v3, v2  }
0x106: {  	[tilespmem:s25+$0x190F0] =	vst v0  }
0x107: {  	s23 =	sadd.s32 $0x200, s23;
	s24 =	sadd.s32 $0x400, s24;
	[tilespmem:s25+$0x190D0] =	vst v2  }
0x108: {  	s22 =	sshll.u32 s22, $0x8  }
.Ltmp4:
0x109: {  	s22 =	sadd.s32 s22, s7;
	(pc) =	sbr.rel @p0 .LBB2_8-.Ltmp4, $4  }
0x10a: {  	[hbm4b:s22+s3] =	stream.linear.scatter [tilespmem:s16], [sflag:$0x3], $0x800, $0x38;
	[tilespmem:$0x19880] =	vst v63  }
0x10b: {  	_ =	swait.ge [sflag:s9], $0x800  }
0x10c: {  	[sflag:s9] =	ssyncset.done $0x0  }
0x10d: {  	[sflag:s9] =	ssyncadd.s32 $0xFFFFF800  }
.Ltmp5:
0x10e: {  	(pc) =	sbr.rel .LBB2_2-.Ltmp5, $4  }
0x10f: {  	s22 =	sshll.u32 s21, $0x8  }
0x110: {  	s21 =	sadd.s32 $0x1, s21;
	s22 =	sand.u32 $0x3FFFFF00, s22  }
0x111: {  	s19 =	sadd.s32 $0x1000, s19;
	s20 =	sadd.s32 $0x1000, s20;
	s22 =	sadd.s32 $0x180, s22  }
0x112: {  	[tilespmem:s14], [sflag:$0x2] =	stream.indirect.gather [hbm4b:s4+s12], $0x80, s22, s12, $0xb8;
	[tilespmem:$0x19880] =	vst v63  }
.LBB2_9:
0x113: {  	_ =	sfence.sel $0x180000  }
0x114: {  	[bflag:$0x0] =	sbarrier.arrive $0xFFFF  }
0x115: {  	p0 =	sne.s32 s1, $0x0;
	_ =	strace $0x90000047  }
0x116: {  	s0 =	sadd.s32 @!p0 $0x100000, s0;
	[bflag:$0x2] =	sbarrier.arrive $0xFFFF  }
0x117: {  	[sflag:s0] =	ssyncadd.tile.s32 @!p0 $0x1;
	_ =	shalt  }
.Lfunc_end2:
_tile_overlayer_lowered:
.L_overlay_start_2:
0x118: {  	(tag) =	ssettag $0x2  }
0x119: {  	s0 =	rddreg [dreg:$0x0];
	s2 =	stileid.u32  }
0x11a: {  	s1 =	rddreg [dreg:$0x1];
	p0 =	sne.s32 s2, $0x0  }
0x11b: {  	s3 =	rddreg [dreg:$0x2];
	[bflag:$0x3] =	sbarrier.arrive $0xFFFF;
	s2 =	simm.s32 @!p0 $0x1C03  }
0x11c: {  	[timem:s3], [sflag:s2] =	dma.local @!p0 [hbm:s0], s1  }
0x11d: {  	s0 =	simm.s32 @!p0 $0x3  }
0x11e: {  	_ =	swait.ge @!p0 [sflag:s0], s1  }
0x11f: {  	s1 =	ssub.s32 @!p0 $0x0, s1;
	[sflag:s0] =	ssyncset.done @!p0 $0x0  }
0x120: {  	[sflag:s0] =	ssyncadd.s32 @!p0 s1  }
0x121: {  	[bflag:$0x3] =	sbarrier.arrive $0xFFFF  }
0x122: {  	_ =	shalt  }

</sc_bundles>
